<compile_context>
chip_gen: v7x
topology: tpu7x:2x2x1
jax: 0.10.2.dev20260603
libtpu: 0.0.44.dev20260713+nightly
codegen_flags: <defaults>
</compile_context>

<pallas_src>
import functools

import jax
import jax.numpy as jnp
from jax import lax
from jax.experimental import pallas as pl
from jax.experimental.pallas import tpu as pltpu
from jax.experimental.pallas import tpu_sc as plsc

B = 16384
D = 128
NC = 2
NS = 16
NW = NC * NS
BPW = B // NW
CHUNK = 128
NCHUNK = BPW // CHUNK

_mesh = plsc.VectorSubcoreMesh(core_axis_name="c", subcore_axis_name="s")

_GDN = lax.GatherDimensionNumbers(
    offset_dims=(), collapsed_slice_dims=(0,), start_index_map=(0,)
)


def _perm(v, idx):
    return lax.gather(
        v,
        idx[:, None],
        dimension_numbers=_GDN,
        slice_sizes=(1,),
        mode=lax.GatherScatterMode.PROMISE_IN_BOUNDS,
    )


def _transpose16(vs, lane):
    for s in (1, 2, 4, 8):
        msk = (lane & s) == 0
        x = lane ^ s
        new = list(vs)
        for i in range(16):
            if i & s:
                continue
            j = i + s
            a, b = vs[i], vs[j]
            new[i] = jnp.where(msk, a, _perm(b, x))
            new[j] = jnp.where(msk, _perm(a, x), b)
        vs = new
    return vs


@functools.partial(
    pl.kernel,
    mesh=_mesh,
    out_type=jax.ShapeDtypeStruct((D, B), jnp.float32),
    compiler_params=pltpu.CompilerParams(needs_layout_passes=False),
    scratch_types=[
        pltpu.VMEM((BPW,), jnp.int32),
        pltpu.VMEM((CHUNK, D), jnp.float32),
        pltpu.VMEM((CHUNK, D), jnp.float32),
        pltpu.VMEM((D, BPW), jnp.float32),
        pltpu.SemaphoreType.DMA,
        pltpu.SemaphoreType.DMA,
    ],
)
def _sc_gather_t(table_hbm, idx_hbm, out_hbm, idx_v, rows_a, rows_b, t_v,
                 sem_a, sem_b):
    wid = lax.axis_index("s") * NC + lax.axis_index("c")
    base = wid * BPW
    pltpu.sync_copy(idx_hbm.at[pl.ds(base, BPW)], idx_v)

    lane = lax.iota(jnp.int32, 16)

    def transpose_chunk(rows_v, c):
        @plsc.parallel_loop(0, (CHUNK // 16) * (D // 16), 1, unroll=2)
        def bb_loop(bb):
            bi = bb // (D // 16)
            bj = bb % (D // 16)
            r0 = bi * 16
            vs = [rows_v[r0 + r, pl.ds(bj * 16, 16)] for r in range(16)]
            ws = _transpose16(vs, lane)
            for r in range(16):
                t_v[bj * 16 + r, pl.ds(c * CHUNK + r0, 16)] = ws[r]

    def gather_chunk(c, rows_v, sem):
        pltpu.async_copy(
            table_hbm.at[idx_v.at[pl.ds(c * CHUNK, CHUNK)]], rows_v, sem
        )

    gather_chunk(0, rows_a, sem_a)

    def do_pair(cc, _):
        c0 = cc * 2
        gather_chunk(c0 + 1, rows_b, sem_b)
        pltpu.make_async_copy(
            table_hbm.at[idx_v.at[pl.ds(0, CHUNK)]], rows_a, sem_a
        ).wait()
        transpose_chunk(rows_a, c0)

        @pl.when(cc + 1 < NCHUNK // 2)
        def _():
            gather_chunk(c0 + 2, rows_a, sem_a)

        pltpu.make_async_copy(
            table_hbm.at[idx_v.at[pl.ds(0, CHUNK)]], rows_b, sem_b
        ).wait()
        transpose_chunk(rows_b, c0 + 1)
        return 0

    lax.fori_loop(0, NCHUNK // 2, do_pair, 0)
    pltpu.sync_copy(t_v, out_hbm.at[:, pl.ds(base, BPW)])


def kernel(task_index, task_index_to_mask):
    idx = task_index.reshape(B).astype(jnp.int32)
    return _sc_gather_t(task_index_to_mask, idx)[:, :, None]

# --- scband reference (transcript-rebuilt; emitter-appended) ---
"""Pipeline reference for scband-mixture-of-experts-3521873182778 (READ-ONLY COPY).

The authoritative reference and input builder live on the scoring server;
editing this copy changes nothing except your own understanding.
"""

import jax, jax.numpy as jnp
import numpy as np


def setup_inputs(seed: int = 0) -> dict:
    key = jax.random.key(seed)
    k1, k2 = jax.random.split(key)
    task_index = jax.random.randint(k1, (16384,), 0, 100000, dtype=jnp.int64)
    task_index_to_mask = jax.random.uniform(k2, (100000, 128), dtype=jnp.float32)
    return {"task_index": task_index, "task_index_to_mask": task_index_to_mask}


def reference(task_index, task_index_to_mask):
    # MaskCache._make_mask: gather rows of the task->mask table by task index
    encoder_mask = jnp.take(task_index_to_mask, jnp.squeeze(task_index), axis=0)
    if encoder_mask.ndim == 1:
        encoder_mask = encoder_mask[None, :]
    # .t().unsqueeze(2): [B, E] -> [E, B, 1]
    return jnp.transpose(encoder_mask)[:, :, None]

if __name__ == "__main__":
    import jax
    _d = setup_inputs()
    print(jax.jit(kernel)(*tuple(_d.values())))

</pallas_src>

<mosaic_0001>
#map = affine_map<(d0, d1) -> (0, 0)>
#map1 = affine_map<(d0, d1) -> (0)>
module attributes {stable_mosaic.version = 14 : i64} {
  func.func @_sc_gather_t(%arg0: i32, %arg1: i32, %arg2: memref<100000x128xf32, #tpu.memory_space<hbm>>, %arg3: memref<16384xi32, #tpu.memory_space<hbm>>, %arg4: memref<128x16384xf32, #tpu.memory_space<hbm>>, %arg5: memref<512xi32, #tpu.memory_space<vmem>>, %arg6: memref<128x128xf32, #tpu.memory_space<vmem>>, %arg7: memref<128x128xf32, #tpu.memory_space<vmem>>, %arg8: memref<128x512xf32, #tpu.memory_space<vmem>>, %arg9: memref<!tpu.dma_semaphore, #tpu.memory_space<semaphore_mem>>, %arg10: memref<!tpu.dma_semaphore, #tpu.memory_space<semaphore_mem>>) attributes {dimension_semantics = [#tpu.dimension_semantics<core_parallel>, #tpu.dimension_semantics<subcore_parallel>], iteration_bounds = array<i64: 2, 16>, scalar_prefetch = 0 : i64, scratch_operands = 6 : i64, tpu.core_type = #tpu.core_type<sc_vector_subcore>, window_params = [{transform_indices = #map}, {transform_indices = #map1}, {transform_indices = #map}]} {
    %mul3A = arith.constant 2 : i32
    %mul3A_0 = arith.muli %arg1, %mul3A : i32
    %add3A = arith.addi %mul3A_0, %arg0 : i32
    %mul3A_1 = arith.constant 512 : i32
    %mul3A_2 = arith.muli %add3A, %mul3A_1 : i32
    "tpu.region"() ({
      %run_scoped3A = tpu.sem_alloc : memref<!tpu.dma_semaphore, #tpu.memory_space<semaphore_mem>>
      %dma_start3A_13 = tpu.memref_slice %arg3[%mul3A_2] : memref<16384xi32, #tpu.memory_space<hbm>> -> memref<512xi32, #tpu.memory_space<hbm>>
      %dma_start3A_14 = tpu.memref_slice %arg3[%mul3A_2] : memref<16384xi32, #tpu.memory_space<hbm>> -> memref<512xi32, #tpu.memory_space<hbm>>
      tpu.enqueue_dma source(%dma_start3A_14 : memref<512xi32, #tpu.memory_space<hbm>>) target(%arg5 : memref<512xi32, #tpu.memory_space<vmem>>) target_semaphore(%run_scoped3A : memref<!tpu.dma_semaphore, #tpu.memory_space<semaphore_mem>>)
      %dma_wait3A = tpu.memref_slice %arg3[%mul3A_2] : memref<16384xi32, #tpu.memory_space<hbm>> -> memref<512xi32, #tpu.memory_space<hbm>>
      %dma_wait3A_15 = tpu.memref_slice %arg3[%mul3A_2] : memref<16384xi32, #tpu.memory_space<hbm>> -> memref<512xi32, #tpu.memory_space<hbm>>
      tpu.wait_dma2 semaphore(%run_scoped3A : memref<!tpu.dma_semaphore, #tpu.memory_space<semaphore_mem>>) src(%dma_wait3A_15 : memref<512xi32, #tpu.memory_space<hbm>>) dst(%arg5 : memref<512xi32, #tpu.memory_space<vmem>>)
      tpu.yield
    }) : () -> ()
    %iota3A = tpu.iota {dimensions = array<i32: 0>} : vector<16xi32>
    %dma_start3A = arith.constant 0 : i32
    %dma_start3A_3 = tpu.memref_slice %arg5[%dma_start3A] : memref<512xi32, #tpu.memory_space<vmem>> -> memref<128xi32, #tpu.memory_space<vmem>>
    %dma_start3A_4 = arith.constant 0 : i32
    %dma_start3A_5 = arith.constant 0 : i32
    %dma_start3A_6 = tpu.memref_slice %arg2[%dma_start3A_4, %dma_start3A_5] : memref<100000x128xf32, #tpu.memory_space<hbm>> -> memref<100000x128xf32, #tpu.memory_space<hbm>>
    tpu.enqueue_indirect_dma source(%dma_start3A_6 : memref<100000x128xf32, #tpu.memory_space<hbm>>) target(%arg6 : memref<128x128xf32, #tpu.memory_space<vmem>>) offsets(%dma_start3A_3 : memref<128xi32, #tpu.memory_space<vmem>>) semaphore(%arg9 : memref<!tpu.dma_semaphore, #tpu.memory_space<semaphore_mem>>)
    %scan3A = arith.constant 0 : i32
    %scan3A_7 = arith.constant 0 : i32
    %scan3A_8 = arith.constant 2 : i32
    %scan3A_9 = arith.addi %scan3A_7, %scan3A_8 : i32
    %scan3A_10 = arith.constant 1 : i32
    %scan3A_11 = scf.for %scan3A_13 = %scan3A_7 to %scan3A_9 step %scan3A_10 iter_args(%scan3A_14 = %scan3A) -> (i32)  : i32 {
      %mul3A_15 = arith.constant 2 : i32
      %mul3A_16 = arith.muli %scan3A_13, %mul3A_15 : i32
      %add3A_17 = arith.constant 1 : i32
      %add3A_18 = arith.addi %mul3A_16, %add3A_17 : i32
      %mul3A_19 = arith.constant 128 : i32
      %mul3A_20 = arith.muli %add3A_18, %mul3A_19 : i32
      %dma_start3A_21 = tpu.memref_slice %arg5[%mul3A_20] : memref<512xi32, #tpu.memory_space<vmem>> -> memref<128xi32, #tpu.memory_space<vmem>>
      %dma_start3A_22 = arith.constant 0 : i32
      %dma_start3A_23 = arith.constant 0 : i32
      %dma_start3A_24 = tpu.memref_slice %arg2[%dma_start3A_22, %dma_start3A_23] : memref<100000x128xf32, #tpu.memory_space<hbm>> -> memref<100000x128xf32, #tpu.memory_space<hbm>>
      tpu.enqueue_indirect_dma source(%dma_start3A_24 : memref<100000x128xf32, #tpu.memory_space<hbm>>) target(%arg7 : memref<128x128xf32, #tpu.memory_space<vmem>>) offsets(%dma_start3A_21 : memref<128xi32, #tpu.memory_space<vmem>>) semaphore(%arg10 : memref<!tpu.dma_semaphore, #tpu.memory_space<semaphore_mem>>)
      %dma_wait3A = arith.constant 0 : i32
      %dma_wait3A_25 = tpu.memref_slice %arg5[%dma_wait3A] : memref<512xi32, #tpu.memory_space<vmem>> -> memref<128xi32, #tpu.memory_space<vmem>>
      %dma_wait3A_26 = arith.constant 0 : i32
      %dma_wait3A_27 = arith.constant 0 : i32
      %dma_wait3A_28 = tpu.memref_slice %arg2[%dma_wait3A_26, %dma_wait3A_27] : memref<100000x128xf32, #tpu.memory_space<hbm>> -> memref<100000x128xf32, #tpu.memory_space<hbm>>
      tpu.wait_indirect_dma semaphore(%arg9 : memref<!tpu.dma_semaphore, #tpu.memory_space<semaphore_mem>>) src(%dma_wait3A_28 : memref<100000x128xf32, #tpu.memory_space<hbm>>) dst(%arg6 : memref<128x128xf32, #tpu.memory_space<vmem>>)
      %parallel_loop3A = arith.constant 0 : i32
      %parallel_loop3A_29 = arith.constant 64 : i32
      %parallel_loop3A_30 = arith.constant 1 : i32
      scf.for %parallel_loop3A_46 = %parallel_loop3A to %parallel_loop3A_29 step %parallel_loop3A_30  : i32 {
        %parallel_loop3A_47 = arith.constant 8 : i32
        %parallel_loop3A_48 = arith.divsi %parallel_loop3A_46, %parallel_loop3A_47 : i32
        %parallel_loop3A_49 = arith.constant 0 : i32
        %parallel_loop3A_50 = arith.cmpi sgt, %parallel_loop3A_46, %parallel_loop3A_49 : i32
        %parallel_loop3A_51 = arith.extui %parallel_loop3A_50 : i1 to i32
        %parallel_loop3A_52 = arith.constant 0 : i32
        %parallel_loop3A_53 = arith.cmpi slt, %parallel_loop3A_46, %parallel_loop3A_52 : i32
        %parallel_loop3A_54 = arith.extui %parallel_loop3A_53 : i1 to i32
        %parallel_loop3A_55 = arith.subi %parallel_loop3A_51, %parallel_loop3A_54 : i32
        %parallel_loop3A_56 = arith.constant 0 : i32
        %parallel_loop3A_57 = arith.cmpi sgt, %parallel_loop3A_47, %parallel_loop3A_56 : i32
        %parallel_loop3A_58 = arith.extui %parallel_loop3A_57 : i1 to i32
        %parallel_loop3A_59 = arith.constant 0 : i32
        %parallel_loop3A_60 = arith.cmpi slt, %parallel_loop3A_47, %parallel_loop3A_59 : i32
        %parallel_loop3A_61 = arith.extui %parallel_loop3A_60 : i1 to i32
        %parallel_loop3A_62 = arith.subi %parallel_loop3A_58, %parallel_loop3A_61 : i32
        %parallel_loop3A_63 = arith.cmpi ne, %parallel_loop3A_55, %parallel_loop3A_62 : i32
        %parallel_loop3A_64 = arith.remsi %parallel_loop3A_46, %parallel_loop3A_47 : i32
        %parallel_loop3A_65 = arith.constant 0 : i32
        %parallel_loop3A_66 = arith.cmpi ne, %parallel_loop3A_64, %parallel_loop3A_65 : i32
        %parallel_loop3A_67 = arith.andi %parallel_loop3A_63, %parallel_loop3A_66 : i1
        %parallel_loop3A_68 = arith.constant 1 : i32
        %parallel_loop3A_69 = arith.subi %parallel_loop3A_48, %parallel_loop3A_68 : i32
        %parallel_loop3A_70 = arith.select %parallel_loop3A_67, %parallel_loop3A_69, %parallel_loop3A_48 : i32
        %parallel_loop3A_71 = arith.constant 8 : i32
        %parallel_loop3A_72 = arith.constant 0 : i32
        %parallel_loop3A_73 = arith.cmpi eq, %parallel_loop3A_71, %parallel_loop3A_72 : i32
        %parallel_loop3A_74 = arith.constant 1 : i32
        %parallel_loop3A_75 = arith.select %parallel_loop3A_73, %parallel_loop3A_74, %parallel_loop3A_71 : i32
        %parallel_loop3A_76 = arith.remsi %parallel_loop3A_46, %parallel_loop3A_75 : i32
        %parallel_loop3A_77 = arith.constant 0 : i32
        %parallel_loop3A_78 = arith.cmpi ne, %parallel_loop3A_76, %parallel_loop3A_77 : i32
        %parallel_loop3A_79 = arith.constant 0 : i32
        %parallel_loop3A_80 = arith.cmpi slt, %parallel_loop3A_76, %parallel_loop3A_79 : i32
        %parallel_loop3A_81 = arith.constant 0 : i32
        %parallel_loop3A_82 = arith.cmpi slt, %parallel_loop3A_75, %parallel_loop3A_81 : i32
        %parallel_loop3A_83 = arith.xori %parallel_loop3A_80, %parallel_loop3A_82 : i1
        %parallel_loop3A_84 = arith.andi %parallel_loop3A_83, %parallel_loop3A_78 : i1
        %parallel_loop3A_85 = arith.addi %parallel_loop3A_76, %parallel_loop3A_75 : i32
        %parallel_loop3A_86 = arith.select %parallel_loop3A_84, %parallel_loop3A_85, %parallel_loop3A_76 : i32
        %parallel_loop3A_87 = arith.constant 16 : i32
        %parallel_loop3A_88 = arith.muli %parallel_loop3A_70, %parallel_loop3A_87 : i32
        %parallel_loop3A_89 = arith.constant 0 : i32
        %parallel_loop3A_90 = arith.addi %parallel_loop3A_88, %parallel_loop3A_89 : i32
        %parallel_loop3A_91 = arith.constant 16 : i32
        %parallel_loop3A_92 = arith.muli %parallel_loop3A_86, %parallel_loop3A_91 : i32
        %parallel_loop3A_93 = arith.index_cast %parallel_loop3A_90 : i32 to index
        %parallel_loop3A_94 = arith.index_cast %parallel_loop3A_92 : i32 to index
        %parallel_loop3A_95 = tpu.vector_load %arg6[%parallel_loop3A_93, %parallel_loop3A_94] {strides = array<i32>} : memref<128x128xf32, #tpu.memory_space<vmem>>, vector<16xf32>,
        %parallel_loop3A_96 = arith.constant 1 : i32
        %parallel_loop3A_97 = arith.addi %parallel_loop3A_88, %parallel_loop3A_96 : i32
        %parallel_loop3A_98 = arith.constant 16 : i32
        %parallel_loop3A_99 = arith.muli %parallel_loop3A_86, %parallel_loop3A_98 : i32
        %parallel_loop3A_100 = arith.index_cast %parallel_loop3A_97 : i32 to index
        %parallel_loop3A_101 = arith.index_cast %parallel_loop3A_99 : i32 to index
        %parallel_loop3A_102 = tpu.vector_load %arg6[%parallel_loop3A_100, %parallel_loop3A_101] {strides = array<i32>} : memref<128x128xf32, #tpu.memory_space<vmem>>, vector<16xf32>,
        %parallel_loop3A_103 = arith.constant 2 : i32
        %parallel_loop3A_104 = arith.addi %parallel_loop3A_88, %parallel_loop3A_103 : i32
        %parallel_loop3A_105 = arith.constant 16 : i32
        %parallel_loop3A_106 = arith.muli %parallel_loop3A_86, %parallel_loop3A_105 : i32
        %parallel_loop3A_107 = arith.index_cast %parallel_loop3A_104 : i32 to index
        %parallel_loop3A_108 = arith.index_cast %parallel_loop3A_106 : i32 to index
        %parallel_loop3A_109 = tpu.vector_load %arg6[%parallel_loop3A_107, %parallel_loop3A_108] {strides = array<i32>} : memref<128x128xf32, #tpu.memory_space<vmem>>, vector<16xf32>,
        %parallel_loop3A_110 = arith.constant 3 : i32
        %parallel_loop3A_111 = arith.addi %parallel_loop3A_88, %parallel_loop3A_110 : i32
        %parallel_loop3A_112 = arith.constant 16 : i32
        %parallel_loop3A_113 = arith.muli %parallel_loop3A_86, %parallel_loop3A_112 : i32
        %parallel_loop3A_114 = arith.index_cast %parallel_loop3A_111 : i32 to index
        %parallel_loop3A_115 = arith.index_cast %parallel_loop3A_113 : i32 to index
        %parallel_loop3A_116 = tpu.vector_load %arg6[%parallel_loop3A_114, %parallel_loop3A_115] {strides = array<i32>} : memref<128x128xf32, #tpu.memory_space<vmem>>, vector<16xf32>,
        %parallel_loop3A_117 = arith.constant 4 : i32
        %parallel_loop3A_118 = arith.addi %parallel_loop3A_88, %parallel_loop3A_117 : i32
        %parallel_loop3A_119 = arith.constant 16 : i32
        %parallel_loop3A_120 = arith.muli %parallel_loop3A_86, %parallel_loop3A_119 : i32
        %parallel_loop3A_121 = arith.index_cast %parallel_loop3A_118 : i32 to index
        %parallel_loop3A_122 = arith.index_cast %parallel_loop3A_120 : i32 to index
        %parallel_loop3A_123 = tpu.vector_load %arg6[%parallel_loop3A_121, %parallel_loop3A_122] {strides = array<i32>} : memref<128x128xf32, #tpu.memory_space<vmem>>, vector<16xf32>,
        %parallel_loop3A_124 = arith.constant 5 : i32
        %parallel_loop3A_125 = arith.addi %parallel_loop3A_88, %parallel_loop3A_124 : i32
        %parallel_loop3A_126 = arith.constant 16 : i32
        %parallel_loop3A_127 = arith.muli %parallel_loop3A_86, %parallel_loop3A_126 : i32
        %parallel_loop3A_128 = arith.index_cast %parallel_loop3A_125 : i32 to index
        %parallel_loop3A_129 = arith.index_cast %parallel_loop3A_127 : i32 to index
        %parallel_loop3A_130 = tpu.vector_load %arg6[%parallel_loop3A_128, %parallel_loop3A_129] {strides = array<i32>} : memref<128x128xf32, #tpu.memory_space<vmem>>, vector<16xf32>,
        %parallel_loop3A_131 = arith.constant 6 : i32
        %parallel_loop3A_132 = arith.addi %parallel_loop3A_88, %parallel_loop3A_131 : i32
        %parallel_loop3A_133 = arith.constant 16 : i32
        %parallel_loop3A_134 = arith.muli %parallel_loop3A_86, %parallel_loop3A_133 : i32
        %parallel_loop3A_135 = arith.index_cast %parallel_loop3A_132 : i32 to index
        %parallel_loop3A_136 = arith.index_cast %parallel_loop3A_134 : i32 to index
        %parallel_loop3A_137 = tpu.vector_load %arg6[%parallel_loop3A_135, %parallel_loop3A_136] {strides = array<i32>} : memref<128x128xf32, #tpu.memory_space<vmem>>, vector<16xf32>,
        %parallel_loop3A_138 = arith.constant 7 : i32
        %parallel_loop3A_139 = arith.addi %parallel_loop3A_88, %parallel_loop3A_138 : i32
        %parallel_loop3A_140 = arith.constant 16 : i32
        %parallel_loop3A_141 = arith.muli %parallel_loop3A_86, %parallel_loop3A_140 : i32
        %parallel_loop3A_142 = arith.index_cast %parallel_loop3A_139 : i32 to index
        %parallel_loop3A_143 = arith.index_cast %parallel_loop3A_141 : i32 to index
        %parallel_loop3A_144 = tpu.vector_load %arg6[%parallel_loop3A_142, %parallel_loop3A_143] {strides = array<i32>} : memref<128x128xf32, #tpu.memory_space<vmem>>, vector<16xf32>,
        %parallel_loop3A_145 = arith.constant 8 : i32
        %parallel_loop3A_146 = arith.addi %parallel_loop3A_88, %parallel_loop3A_145 : i32
        %parallel_loop3A_147 = arith.constant 16 : i32
        %parallel_loop3A_148 = arith.muli %parallel_loop3A_86, %parallel_loop3A_147 : i32
        %parallel_loop3A_149 = arith.index_cast %parallel_loop3A_146 : i32 to index
        %parallel_loop3A_150 = arith.index_cast %parallel_loop3A_148 : i32 to index
        %parallel_loop3A_151 = tpu.vector_load %arg6[%parallel_loop3A_149, %parallel_loop3A_150] {strides = array<i32>} : memref<128x128xf32, #tpu.memory_space<vmem>>, vector<16xf32>,
        %parallel_loop3A_152 = arith.constant 9 : i32
        %parallel_loop3A_153 = arith.addi %parallel_loop3A_88, %parallel_loop3A_152 : i32
        %parallel_loop3A_154 = arith.constant 16 : i32
        %parallel_loop3A_155 = arith.muli %parallel_loop3A_86, %parallel_loop3A_154 : i32
        %parallel_loop3A_156 = arith.index_cast %parallel_loop3A_153 : i32 to index
        %parallel_loop3A_157 = arith.index_cast %parallel_loop3A_155 : i32 to index
        %parallel_loop3A_158 = tpu.vector_load %arg6[%parallel_loop3A_156, %parallel_loop3A_157] {strides = array<i32>} : memref<128x128xf32, #tpu.memory_space<vmem>>, vector<16xf32>,
        %parallel_loop3A_159 = arith.constant 10 : i32
        %parallel_loop3A_160 = arith.addi %parallel_loop3A_88, %parallel_loop3A_159 : i32
        %parallel_loop3A_161 = arith.constant 16 : i32
        %parallel_loop3A_162 = arith.muli %parallel_loop3A_86, %parallel_loop3A_161 : i32
        %parallel_loop3A_163 = arith.index_cast %parallel_loop3A_160 : i32 to index
        %parallel_loop3A_164 = arith.index_cast %parallel_loop3A_162 : i32 to index
        %parallel_loop3A_165 = tpu.vector_load %arg6[%parallel_loop3A_163, %parallel_loop3A_164] {strides = array<i32>} : memref<128x128xf32, #tpu.memory_space<vmem>>, vector<16xf32>,
        %parallel_loop3A_166 = arith.constant 11 : i32
        %parallel_loop3A_167 = arith.addi %parallel_loop3A_88, %parallel_loop3A_166 : i32
        %parallel_loop3A_168 = arith.constant 16 : i32
        %parallel_loop3A_169 = arith.muli %parallel_loop3A_86, %parallel_loop3A_168 : i32
        %parallel_loop3A_170 = arith.index_cast %parallel_loop3A_167 : i32 to index
        %parallel_loop3A_171 = arith.index_cast %parallel_loop3A_169 : i32 to index
        %parallel_loop3A_172 = tpu.vector_load %arg6[%parallel_loop3A_170, %parallel_loop3A_171] {strides = array<i32>} : memref<128x128xf32, #tpu.memory_space<vmem>>, vector<16xf32>,
        %parallel_loop3A_173 = arith.constant 12 : i32
        %parallel_loop3A_174 = arith.addi %parallel_loop3A_88, %parallel_loop3A_173 : i32
        %parallel_loop3A_175 = arith.constant 16 : i32
        %parallel_loop3A_176 = arith.muli %parallel_loop3A_86, %parallel_loop3A_175 : i32
        %parallel_loop3A_177 = arith.index_cast %parallel_loop3A_174 : i32 to index
        %parallel_loop3A_178 = arith.index_cast %parallel_loop3A_176 : i32 to index
        %parallel_loop3A_179 = tpu.vector_load %arg6[%parallel_loop3A_177, %parallel_loop3A_178] {strides = array<i32>} : memref<128x128xf32, #tpu.memory_space<vmem>>, vector<16xf32>,
        %parallel_loop3A_180 = arith.constant 13 : i32
        %parallel_loop3A_181 = arith.addi %parallel_loop3A_88, %parallel_loop3A_180 : i32
        %parallel_loop3A_182 = arith.constant 16 : i32
        %parallel_loop3A_183 = arith.muli %parallel_loop3A_86, %parallel_loop3A_182 : i32
        %parallel_loop3A_184 = arith.index_cast %parallel_loop3A_181 : i32 to index
        %parallel_loop3A_185 = arith.index_cast %parallel_loop3A_183 : i32 to index
        %parallel_loop3A_186 = tpu.vector_load %arg6[%parallel_loop3A_184, %parallel_loop3A_185] {strides = array<i32>} : memref<128x128xf32, #tpu.memory_space<vmem>>, vector<16xf32>,
        %parallel_loop3A_187 = arith.constant 14 : i32
        %parallel_loop3A_188 = arith.addi %parallel_loop3A_88, %parallel_loop3A_187 : i32
        %parallel_loop3A_189 = arith.constant 16 : i32
        %parallel_loop3A_190 = arith.muli %parallel_loop3A_86, %parallel_loop3A_189 : i32
        %parallel_loop3A_191 = arith.index_cast %parallel_loop3A_188 : i32 to index
        %parallel_loop3A_192 = arith.index_cast %parallel_loop3A_190 : i32 to index
        %parallel_loop3A_193 = tpu.vector_load %arg6[%parallel_loop3A_191, %parallel_loop3A_192] {strides = array<i32>} : memref<128x128xf32, #tpu.memory_space<vmem>>, vector<16xf32>,
        %parallel_loop3A_194 = arith.constant 15 : i32
        %parallel_loop3A_195 = arith.addi %parallel_loop3A_88, %parallel_loop3A_194 : i32
        %parallel_loop3A_196 = arith.constant 16 : i32
        %parallel_loop3A_197 = arith.muli %parallel_loop3A_86, %parallel_loop3A_196 : i32
        %parallel_loop3A_198 = arith.index_cast %parallel_loop3A_195 : i32 to index
        %parallel_loop3A_199 = arith.index_cast %parallel_loop3A_197 : i32 to index
        %parallel_loop3A_200 = tpu.vector_load %arg6[%parallel_loop3A_198, %parallel_loop3A_199] {strides = array<i32>} : memref<128x128xf32, #tpu.memory_space<vmem>>, vector<16xf32>,
        %parallel_loop3A_201 = arith.constant 1 : i32
        %parallel_loop3A_202 = vector.broadcast %parallel_loop3A_201 : i32 to vector<16xi32>
        %parallel_loop3A_203 = arith.andi %iota3A, %parallel_loop3A_202 : vector<16xi32>
        %parallel_loop3A_204 = arith.constant 0 : i32
        %parallel_loop3A_205 = vector.broadcast %parallel_loop3A_204 : i32 to vector<16xi32>
        %parallel_loop3A_206 = arith.cmpi eq, %parallel_loop3A_203, %parallel_loop3A_205 : vector<16xi32>
        %parallel_loop3A_207 = arith.constant 1 : i32
        %parallel_loop3A_208 = vector.broadcast %parallel_loop3A_207 : i32 to vector<16xi32>
        %parallel_loop3A_209 = arith.xori %iota3A, %parallel_loop3A_208 : vector<16xi32>
        %parallel_loop3A_210 = vector.shape_cast %parallel_loop3A_209 : vector<16xi32> to vector<16x1xi32>
        %parallel_loop3A_211 = vector.shape_cast %parallel_loop3A_210 : vector<16x1xi32> to vector<16xi32>
        %parallel_loop3A_212 = tpu.dynamic_gather %parallel_loop3A_102[%parallel_loop3A_211] in [0] : vector<16xf32>, vector<16xi32> -> vector<16xf32>
        %parallel_loop3A_213 = arith.select %parallel_loop3A_206, %parallel_loop3A_95, %parallel_loop3A_212 : vector<16xi1>, vector<16xf32>
        %parallel_loop3A_214 = vector.shape_cast %parallel_loop3A_209 : vector<16xi32> to vector<16x1xi32>
        %parallel_loop3A_215 = vector.shape_cast %parallel_loop3A_214 : vector<16x1xi32> to vector<16xi32>
        %parallel_loop3A_216 = tpu.dynamic_gather %parallel_loop3A_95[%parallel_loop3A_215] in [0] : vector<16xf32>, vector<16xi32> -> vector<16xf32>
        %parallel_loop3A_217 = arith.select %parallel_loop3A_206, %parallel_loop3A_216, %parallel_loop3A_102 : vector<16xi1>, vector<16xf32>
        %parallel_loop3A_218 = vector.shape_cast %parallel_loop3A_209 : vector<16xi32> to vector<16x1xi32>
        %parallel_loop3A_219 = vector.shape_cast %parallel_loop3A_218 : vector<16x1xi32> to vector<16xi32>
        %parallel_loop3A_220 = tpu.dynamic_gather %parallel_loop3A_116[%parallel_loop3A_219] in [0] : vector<16xf32>, vector<16xi32> -> vector<16xf32>
        %parallel_loop3A_221 = arith.select %parallel_loop3A_206, %parallel_loop3A_109, %parallel_loop3A_220 : vector<16xi1>, vector<16xf32>
        %parallel_loop3A_222 = vector.shape_cast %parallel_loop3A_209 : vector<16xi32> to vector<16x1xi32>
        %parallel_loop3A_223 = vector.shape_cast %parallel_loop3A_222 : vector<16x1xi32> to vector<16xi32>
        %parallel_loop3A_224 = tpu.dynamic_gather %parallel_loop3A_109[%parallel_loop3A_223] in [0] : vector<16xf32>, vector<16xi32> -> vector<16xf32>
        %parallel_loop3A_225 = arith.select %parallel_loop3A_206, %parallel_loop3A_224, %parallel_loop3A_116 : vector<16xi1>, vector<16xf32>
        %parallel_loop3A_226 = vector.shape_cast %parallel_loop3A_209 : vector<16xi32> to vector<16x1xi32>
        %parallel_loop3A_227 = vector.shape_cast %parallel_loop3A_226 : vector<16x1xi32> to vector<16xi32>
        %parallel_loop3A_228 = tpu.dynamic_gather %parallel_loop3A_130[%parallel_loop3A_227] in [0] : vector<16xf32>, vector<16xi32> -> vector<16xf32>
        %parallel_loop3A_229 = arith.select %parallel_loop3A_206, %parallel_loop3A_123, %parallel_loop3A_228 : vector<16xi1>, vector<16xf32>
        %parallel_loop3A_230 = vector.shape_cast %parallel_loop3A_209 : vector<16xi32> to vector<16x1xi32>
        %parallel_loop3A_231 = vector.shape_cast %parallel_loop3A_230 : vector<16x1xi32> to vector<16xi32>
        %parallel_loop3A_232 = tpu.dynamic_gather %parallel_loop3A_123[%parallel_loop3A_231] in [0] : vector<16xf32>, vector<16xi32> -> vector<16xf32>
        %parallel_loop3A_233 = arith.select %parallel_loop3A_206, %parallel_loop3A_232, %parallel_loop3A_130 : vector<16xi1>, vector<16xf32>
        %parallel_loop3A_234 = vector.shape_cast %parallel_loop3A_209 : vector<16xi32> to vector<16x1xi32>
        %parallel_loop3A_235 = vector.shape_cast %parallel_loop3A_234 : vector<16x1xi32> to vector<16xi32>
        %parallel_loop3A_236 = tpu.dynamic_gather %parallel_loop3A_144[%parallel_loop3A_235] in [0] : vector<16xf32>, vector<16xi32> -> vector<16xf32>
        %parallel_loop3A_237 = arith.select %parallel_loop3A_206, %parallel_loop3A_137, %parallel_loop3A_236 : vector<16xi1>, vector<16xf32>
        %parallel_loop3A_238 = vector.shape_cast %parallel_loop3A_209 : vector<16xi32> to vector<16x1xi32>
        %parallel_loop3A_239 = vector.shape_cast %parallel_loop3A_238 : vector<16x1xi32> to vector<16xi32>
        %parallel_loop3A_240 = tpu.dynamic_gather %parallel_loop3A_137[%parallel_loop3A_239] in [0] : vector<16xf32>, vector<16xi32> -> vector<16xf32>
        %parallel_loop3A_241 = arith.select %parallel_loop3A_206, %parallel_loop3A_240, %parallel_loop3A_144 : vector<16xi1>, vector<16xf32>
        %parallel_loop3A_242 = vector.shape_cast %parallel_loop3A_209 : vector<16xi32> to vector<16x1xi32>
        %parallel_loop3A_243 = vector.shape_cast %parallel_loop3A_242 : vector<16x1xi32> to vector<16xi32>
        %parallel_loop3A_244 = tpu.dynamic_gather %parallel_loop3A_158[%parallel_loop3A_243] in [0] : vector<16xf32>, vector<16xi32> -> vector<16xf32>
        %parallel_loop3A_245 = arith.select %parallel_loop3A_206, %parallel_loop3A_151, %parallel_loop3A_244 : vector<16xi1>, vector<16xf32>
        %parallel_loop3A_246 = vector.shape_cast %parallel_loop3A_209 : vector<16xi32> to vector<16x1xi32>
        %parallel_loop3A_247 = vector.shape_cast %parallel_loop3A_246 : vector<16x1xi32> to vector<16xi32>
        %parallel_loop3A_248 = tpu.dynamic_gather %parallel_loop3A_151[%parallel_loop3A_247] in [0] : vector<16xf32>, vector<16xi32> -> vector<16xf32>
        %parallel_loop3A_249 = arith.select %parallel_loop3A_206, %parallel_loop3A_248, %parallel_loop3A_158 : vector<16xi1>, vector<16xf32>
        %parallel_loop3A_250 = vector.shape_cast %parallel_loop3A_209 : vector<16xi32> to vector<16x1xi32>
        %parallel_loop3A_251 = vector.shape_cast %parallel_loop3A_250 : vector<16x1xi32> to vector<16xi32>
        %parallel_loop3A_252 = tpu.dynamic_gather %parallel_loop3A_172[%parallel_loop3A_251] in [0] : vector<16xf32>, vector<16xi32> -> vector<16xf32>
        %parallel_loop3A_253 = arith.select %parallel_loop3A_206, %parallel_loop3A_165, %parallel_loop3A_252 : vector<16xi1>, vector<16xf32>
        %parallel_loop3A_254 = vector.shape_cast %parallel_loop3A_209 : vector<16xi32> to vector<16x1xi32>
        %parallel_loop3A_255 = vector.shape_cast %parallel_loop3A_254 : vector<16x1xi32> to vector<16xi32>
        %parallel_loop3A_256 = tpu.dynamic_gather %parallel_loop3A_165[%parallel_loop3A_255] in [0] : vector<16xf32>, vector<16xi32> -> vector<16xf32>
        %parallel_loop3A_257 = arith.select %parallel_loop3A_206, %parallel_loop3A_256, %parallel_loop3A_172 : vector<16xi1>, vector<16xf32>
        %parallel_loop3A_258 = vector.shape_cast %parallel_loop3A_209 : vector<16xi32> to vector<16x1xi32>
        %parallel_loop3A_259 = vector.shape_cast %parallel_loop3A_258 : vector<16x1xi32> to vector<16xi32>
        %parallel_loop3A_260 = tpu.dynamic_gather %parallel_loop3A_186[%parallel_loop3A_259] in [0] : vector<16xf32>, vector<16xi32> -> vector<16xf32>
        %parallel_loop3A_261 = arith.select %parallel_loop3A_206, %parallel_loop3A_179, %parallel_loop3A_260 : vector<16xi1>, vector<16xf32>
        %parallel_loop3A_262 = vector.shape_cast %parallel_loop3A_209 : vector<16xi32> to vector<16x1xi32>
        %parallel_loop3A_263 = vector.shape_cast %parallel_loop3A_262 : vector<16x1xi32> to vector<16xi32>
        %parallel_loop3A_264 = tpu.dynamic_gather %parallel_loop3A_179[%parallel_loop3A_263] in [0] : vector<16xf32>, vector<16xi32> -> vector<16xf32>
        %parallel_loop3A_265 = arith.select %parallel_loop3A_206, %parallel_loop3A_264, %parallel_loop3A_186 : vector<16xi1>, vector<16xf32>
        %parallel_loop3A_266 = vector.shape_cast %parallel_loop3A_209 : vector<16xi32> to vector<16x1xi32>
        %parallel_loop3A_267 = vector.shape_cast %parallel_loop3A_266 : vector<16x1xi32> to vector<16xi32>
        %parallel_loop3A_268 = tpu.dynamic_gather %parallel_loop3A_200[%parallel_loop3A_267] in [0] : vector<16xf32>, vector<16xi32> -> vector<16xf32>
        %parallel_loop3A_269 = arith.select %parallel_loop3A_206, %parallel_loop3A_193, %parallel_loop3A_268 : vector<16xi1>, vector<16xf32>
        %parallel_loop3A_270 = vector.shape_cast %parallel_loop3A_209 : vector<16xi32> to vector<16x1xi32>
        %parallel_loop3A_271 = vector.shape_cast %parallel_loop3A_270 : vector<16x1xi32> to vector<16xi32>
        %parallel_loop3A_272 = tpu.dynamic_gather %parallel_loop3A_193[%parallel_loop3A_271] in [0] : vector<16xf32>, vector<16xi32> -> vector<16xf32>
        %parallel_loop3A_273 = arith.select %parallel_loop3A_206, %parallel_loop3A_272, %parallel_loop3A_200 : vector<16xi1>, vector<16xf32>
        %parallel_loop3A_274 = arith.constant 2 : i32
        %parallel_loop3A_275 = vector.broadcast %parallel_loop3A_274 : i32 to vector<16xi32>
        %parallel_loop3A_276 = arith.andi %iota3A, %parallel_loop3A_275 : vector<16xi32>
        %parallel_loop3A_277 = arith.constant 0 : i32
        %parallel_loop3A_278 = vector.broadcast %parallel_loop3A_277 : i32 to vector<16xi32>
        %parallel_loop3A_279 = arith.cmpi eq, %parallel_loop3A_276, %parallel_loop3A_278 : vector<16xi32>
        %parallel_loop3A_280 = arith.constant 2 : i32
        %parallel_loop3A_281 = vector.broadcast %parallel_loop3A_280 : i32 to vector<16xi32>
        %parallel_loop3A_282 = arith.xori %iota3A, %parallel_loop3A_281 : vector<16xi32>
        %parallel_loop3A_283 = vector.shape_cast %parallel_loop3A_282 : vector<16xi32> to vector<16x1xi32>
        %parallel_loop3A_284 = vector.shape_cast %parallel_loop3A_283 : vector<16x1xi32> to vector<16xi32>
        %parallel_loop3A_285 = tpu.dynamic_gather %parallel_loop3A_221[%parallel_loop3A_284] in [0] : vector<16xf32>, vector<16xi32> -> vector<16xf32>
        %parallel_loop3A_286 = arith.select %parallel_loop3A_279, %parallel_loop3A_213, %parallel_loop3A_285 : vector<16xi1>, vector<16xf32>
        %parallel_loop3A_287 = vector.shape_cast %parallel_loop3A_282 : vector<16xi32> to vector<16x1xi32>
        %parallel_loop3A_288 = vector.shape_cast %parallel_loop3A_287 : vector<16x1xi32> to vector<16xi32>
        %parallel_loop3A_289 = tpu.dynamic_gather %parallel_loop3A_213[%parallel_loop3A_288] in [0] : vector<16xf32>, vector<16xi32> -> vector<16xf32>
        %parallel_loop3A_290 = arith.select %parallel_loop3A_279, %parallel_loop3A_289, %parallel_loop3A_221 : vector<16xi1>, vector<16xf32>
        %parallel_loop3A_291 = vector.shape_cast %parallel_loop3A_282 : vector<16xi32> to vector<16x1xi32>
        %parallel_loop3A_292 = vector.shape_cast %parallel_loop3A_291 : vector<16x1xi32> to vector<16xi32>
        %parallel_loop3A_293 = tpu.dynamic_gather %parallel_loop3A_225[%parallel_loop3A_292] in [0] : vector<16xf32>, vector<16xi32> -> vector<16xf32>
        %parallel_loop3A_294 = arith.select %parallel_loop3A_279, %parallel_loop3A_217, %parallel_loop3A_293 : vector<16xi1>, vector<16xf32>
        %parallel_loop3A_295 = vector.shape_cast %parallel_loop3A_282 : vector<16xi32> to vector<16x1xi32>
        %parallel_loop3A_296 = vector.shape_cast %parallel_loop3A_295 : vector<16x1xi32> to vector<16xi32>
        %parallel_loop3A_297 = tpu.dynamic_gather %parallel_loop3A_217[%parallel_loop3A_296] in [0] : vector<16xf32>, vector<16xi32> -> vector<16xf32>
        %parallel_loop3A_298 = arith.select %parallel_loop3A_279, %parallel_loop3A_297, %parallel_loop3A_225 : vector<16xi1>, vector<16xf32>
        %parallel_loop3A_299 = vector.shape_cast %parallel_loop3A_282 : vector<16xi32> to vector<16x1xi32>
        %parallel_loop3A_300 = vector.shape_cast %parallel_loop3A_299 : vector<16x1xi32> to vector<16xi32>
        %parallel_loop3A_301 = tpu.dynamic_gather %parallel_loop3A_237[%parallel_loop3A_300] in [0] : vector<16xf32>, vector<16xi32> -> vector<16xf32>
        %parallel_loop3A_302 = arith.select %parallel_loop3A_279, %parallel_loop3A_229, %parallel_loop3A_301 : vector<16xi1>, vector<16xf32>
        %parallel_loop3A_303 = vector.shape_cast %parallel_loop3A_282 : vector<16xi32> to vector<16x1xi32>
        %parallel_loop3A_304 = vector.shape_cast %parallel_loop3A_303 : vector<16x1xi32> to vector<16xi32>
        %parallel_loop3A_305 = tpu.dynamic_gather %parallel_loop3A_229[%parallel_loop3A_304] in [0] : vector<16xf32>, vector<16xi32> -> vector<16xf32>
        %parallel_loop3A_306 = arith.select %parallel_loop3A_279, %parallel_loop3A_305, %parallel_loop3A_237 : vector<16xi1>, vector<16xf32>
        %parallel_loop3A_307 = vector.shape_cast %parallel_loop3A_282 : vector<16xi32> to vector<16x1xi32>
        %parallel_loop3A_308 = vector.shape_cast %parallel_loop3A_307 : vector<16x1xi32> to vector<16xi32>
        %parallel_loop3A_309 = tpu.dynamic_gather %parallel_loop3A_241[%parallel_loop3A_308] in [0] : vector<16xf32>, vector<16xi32> -> vector<16xf32>
        %parallel_loop3A_310 = arith.select %parallel_loop3A_279, %parallel_loop3A_233, %parallel_loop3A_309 : vector<16xi1>, vector<16xf32>
        %parallel_loop3A_311 = vector.shape_cast %parallel_loop3A_282 : vector<16xi32> to vector<16x1xi32>
        %parallel_loop3A_312 = vector.shape_cast %parallel_loop3A_311 : vector<16x1xi32> to vector<16xi32>
        %parallel_loop3A_313 = tpu.dynamic_gather %parallel_loop3A_233[%parallel_loop3A_312] in [0] : vector<16xf32>, vector<16xi32> -> vector<16xf32>
        %parallel_loop3A_314 = arith.select %parallel_loop3A_279, %parallel_loop3A_313, %parallel_loop3A_241 : vector<16xi1>, vector<16xf32>
        %parallel_loop3A_315 = vector.shape_cast %parallel_loop3A_282 : vector<16xi32> to vector<16x1xi32>
        %parallel_loop3A_316 = vector.shape_cast %parallel_loop3A_315 : vector<16x1xi32> to vector<16xi32>
        %parallel_loop3A_317 = tpu.dynamic_gather %parallel_loop3A_253[%parallel_loop3A_316] in [0] : vector<16xf32>, vector<16xi32> -> vector<16xf32>
        %parallel_loop3A_318 = arith.select %parallel_loop3A_279, %parallel_loop3A_245, %parallel_loop3A_317 : vector<16xi1>, vector<16xf32>
        %parallel_loop3A_319 = vector.shape_cast %parallel_loop3A_282 : vector<16xi32> to vector<16x1xi32>
        %parallel_loop3A_320 = vector.shape_cast %parallel_loop3A_319 : vector<16x1xi32> to vector<16xi32>
        %parallel_loop3A_321 = tpu.dynamic_gather %parallel_loop3A_245[%parallel_loop3A_320] in [0] : vector<16xf32>, vector<16xi32> -> vector<16xf32>
        %parallel_loop3A_322 = arith.select %parallel_loop3A_279, %parallel_loop3A_321, %parallel_loop3A_253 : vector<16xi1>, vector<16xf32>
        %parallel_loop3A_323 = vector.shape_cast %parallel_loop3A_282 : vector<16xi32> to vector<16x1xi32>
        %parallel_loop3A_324 = vector.shape_cast %parallel_loop3A_323 : vector<16x1xi32> to vector<16xi32>
        %parallel_loop3A_325 = tpu.dynamic_gather %parallel_loop3A_257[%parallel_loop3A_324] in [0] : vector<16xf32>, vector<16xi32> -> vector<16xf32>
        %parallel_loop3A_326 = arith.select %parallel_loop3A_279, %parallel_loop3A_249, %parallel_loop3A_325 : vector<16xi1>, vector<16xf32>
        %parallel_loop3A_327 = vector.shape_cast %parallel_loop3A_282 : vector<16xi32> to vector<16x1xi32>
        %parallel_loop3A_328 = vector.shape_cast %parallel_loop3A_327 : vector<16x1xi32> to vector<16xi32>
        %parallel_loop3A_329 = tpu.dynamic_gather %parallel_loop3A_249[%parallel_loop3A_328] in [0] : vector<16xf32>, vector<16xi32> -> vector<16xf32>
        %parallel_loop3A_330 = arith.select %parallel_loop3A_279, %parallel_loop3A_329, %parallel_loop3A_257 : vector<16xi1>, vector<16xf32>
        %parallel_loop3A_331 = vector.shape_cast %parallel_loop3A_282 : vector<16xi32> to vector<16x1xi32>
        %parallel_loop3A_332 = vector.shape_cast %parallel_loop3A_331 : vector<16x1xi32> to vector<16xi32>
        %parallel_loop3A_333 = tpu.dynamic_gather %parallel_loop3A_269[%parallel_loop3A_332] in [0] : vector<16xf32>, vector<16xi32> -> vector<16xf32>
        %parallel_loop3A_334 = arith.select %parallel_loop3A_279, %parallel_loop3A_261, %parallel_loop3A_333 : vector<16xi1>, vector<16xf32>
        %parallel_loop3A_335 = vector.shape_cast %parallel_loop3A_282 : vector<16xi32> to vector<16x1xi32>
        %parallel_loop3A_336 = vector.shape_cast %parallel_loop3A_335 : vector<16x1xi32> to vector<16xi32>
        %parallel_loop3A_337 = tpu.dynamic_gather %parallel_loop3A_261[%parallel_loop3A_336] in [0] : vector<16xf32>, vector<16xi32> -> vector<16xf32>
        %parallel_loop3A_338 = arith.select %parallel_loop3A_279, %parallel_loop3A_337, %parallel_loop3A_269 : vector<16xi1>, vector<16xf32>
        %parallel_loop3A_339 = vector.shape_cast %parallel_loop3A_282 : vector<16xi32> to vector<16x1xi32>
        %parallel_loop3A_340 = vector.shape_cast %parallel_loop3A_339 : vector<16x1xi32> to vector<16xi32>
        %parallel_loop3A_341 = tpu.dynamic_gather %parallel_loop3A_273[%parallel_loop3A_340] in [0] : vector<16xf32>, vector<16xi32> -> vector<16xf32>
        %parallel_loop3A_342 = arith.select %parallel_loop3A_279, %parallel_loop3A_265, %parallel_loop3A_341 : vector<16xi1>, vector<16xf32>
        %parallel_loop3A_343 = vector.shape_cast %parallel_loop3A_282 : vector<16xi32> to vector<16x1xi32>
        %parallel_loop3A_344 = vector.shape_cast %parallel_loop3A_343 : vector<16x1xi32> to vector<16xi32>
        %parallel_loop3A_345 = tpu.dynamic_gather %parallel_loop3A_265[%parallel_loop3A_344] in [0] : vector<16xf32>, vector<16xi32> -> vector<16xf32>
        %parallel_loop3A_346 = arith.select %parallel_loop3A_279, %parallel_loop3A_345, %parallel_loop3A_273 : vector<16xi1>, vector<16xf32>
        %parallel_loop3A_347 = arith.constant 4 : i32
        %parallel_loop3A_348 = vector.broadcast %parallel_loop3A_347 : i32 to vector<16xi32>
        %parallel_loop3A_349 = arith.andi %iota3A, %parallel_loop3A_348 : vector<16xi32>
        %parallel_loop3A_350 = arith.constant 0 : i32
        %parallel_loop3A_351 = vector.broadcast %parallel_loop3A_350 : i32 to vector<16xi32>
        %parallel_loop3A_352 = arith.cmpi eq, %parallel_loop3A_349, %parallel_loop3A_351 : vector<16xi32>
        %parallel_loop3A_353 = arith.constant 4 : i32
        %parallel_loop3A_354 = vector.broadcast %parallel_loop3A_353 : i32 to vector<16xi32>
        %parallel_loop3A_355 = arith.xori %iota3A, %parallel_loop3A_354 : vector<16xi32>
        %parallel_loop3A_356 = vector.shape_cast %parallel_loop3A_355 : vector<16xi32> to vector<16x1xi32>
        %parallel_loop3A_357 = vector.shape_cast %parallel_loop3A_356 : vector<16x1xi32> to vector<16xi32>
        %parallel_loop3A_358 = tpu.dynamic_gather %parallel_loop3A_302[%parallel_loop3A_357] in [0] : vector<16xf32>, vector<16xi32> -> vector<16xf32>
        %parallel_loop3A_359 = arith.select %parallel_loop3A_352, %parallel_loop3A_286, %parallel_loop3A_358 : vector<16xi1>, vector<16xf32>
        %parallel_loop3A_360 = vector.shape_cast %parallel_loop3A_355 : vector<16xi32> to vector<16x1xi32>
        %parallel_loop3A_361 = vector.shape_cast %parallel_loop3A_360 : vector<16x1xi32> to vector<16xi32>
        %parallel_loop3A_362 = tpu.dynamic_gather %parallel_loop3A_286[%parallel_loop3A_361] in [0] : vector<16xf32>, vector<16xi32> -> vector<16xf32>
        %parallel_loop3A_363 = arith.select %parallel_loop3A_352, %parallel_loop3A_362, %parallel_loop3A_302 : vector<16xi1>, vector<16xf32>
        %parallel_loop3A_364 = vector.shape_cast %parallel_loop3A_355 : vector<16xi32> to vector<16x1xi32>
        %parallel_loop3A_365 = vector.shape_cast %parallel_loop3A_364 : vector<16x1xi32> to vector<16xi32>
        %parallel_loop3A_366 = tpu.dynamic_gather %parallel_loop3A_310[%parallel_loop3A_365] in [0] : vector<16xf32>, vector<16xi32> -> vector<16xf32>
        %parallel_loop3A_367 = arith.select %parallel_loop3A_352, %parallel_loop3A_294, %parallel_loop3A_366 : vector<16xi1>, vector<16xf32>
        %parallel_loop3A_368 = vector.shape_cast %parallel_loop3A_355 : vector<16xi32> to vector<16x1xi32>
        %parallel_loop3A_369 = vector.shape_cast %parallel_loop3A_368 : vector<16x1xi32> to vector<16xi32>
        %parallel_loop3A_370 = tpu.dynamic_gather %parallel_loop3A_294[%parallel_loop3A_369] in [0] : vector<16xf32>, vector<16xi32> -> vector<16xf32>
        %parallel_loop3A_371 = arith.select %parallel_loop3A_352, %parallel_loop3A_370, %parallel_loop3A_310 : vector<16xi1>, vector<16xf32>
        %parallel_loop3A_372 = vector.shape_cast %parallel_loop3A_355 : vector<16xi32> to vector<16x1xi32>
        %parallel_loop3A_373 = vector.shape_cast %parallel_loop3A_372 : vector<16x1xi32> to vector<16xi32>
        %parallel_loop3A_374 = tpu.dynamic_gather %parallel_loop3A_306[%parallel_loop3A_373] in [0] : vector<16xf32>, vector<16xi32> -> vector<16xf32>
        %parallel_loop3A_375 = arith.select %parallel_loop3A_352, %parallel_loop3A_290, %parallel_loop3A_374 : vector<16xi1>, vector<16xf32>
        %parallel_loop3A_376 = vector.shape_cast %parallel_loop3A_355 : vector<16xi32> to vector<16x1xi32>
        %parallel_loop3A_377 = vector.shape_cast %parallel_loop3A_376 : vector<16x1xi32> to vector<16xi32>
        %parallel_loop3A_378 = tpu.dynamic_gather %parallel_loop3A_290[%parallel_loop3A_377] in [0] : vector<16xf32>, vector<16xi32> -> vector<16xf32>
        %parallel_loop3A_379 = arith.select %parallel_loop3A_352, %parallel_loop3A_378, %parallel_loop3A_306 : vector<16xi1>, vector<16xf32>
        %parallel_loop3A_380 = vector.shape_cast %parallel_loop3A_355 : vector<16xi32> to vector<16x1xi32>
        %parallel_loop3A_381 = vector.shape_cast %parallel_loop3A_380 : vector<16x1xi32> to vector<16xi32>
        %parallel_loop3A_382 = tpu.dynamic_gather %parallel_loop3A_314[%parallel_loop3A_381] in [0] : vector<16xf32>, vector<16xi32> -> vector<16xf32>
        %parallel_loop3A_383 = arith.select %parallel_loop3A_352, %parallel_loop3A_298, %parallel_loop3A_382 : vector<16xi1>, vector<16xf32>
        %parallel_loop3A_384 = vector.shape_cast %parallel_loop3A_355 : vector<16xi32> to vector<16x1xi32>
        %parallel_loop3A_385 = vector.shape_cast %parallel_loop3A_384 : vector<16x1xi32> to vector<16xi32>
        %parallel_loop3A_386 = tpu.dynamic_gather %parallel_loop3A_298[%parallel_loop3A_385] in [0] : vector<16xf32>, vector<16xi32> -> vector<16xf32>
        %parallel_loop3A_387 = arith.select %parallel_loop3A_352, %parallel_loop3A_386, %parallel_loop3A_314 : vector<16xi1>, vector<16xf32>
        %parallel_loop3A_388 = vector.shape_cast %parallel_loop3A_355 : vector<16xi32> to vector<16x1xi32>
        %parallel_loop3A_389 = vector.shape_cast %parallel_loop3A_388 : vector<16x1xi32> to vector<16xi32>
        %parallel_loop3A_390 = tpu.dynamic_gather %parallel_loop3A_334[%parallel_loop3A_389] in [0] : vector<16xf32>, vector<16xi32> -> vector<16xf32>
        %parallel_loop3A_391 = arith.select %parallel_loop3A_352, %parallel_loop3A_318, %parallel_loop3A_390 : vector<16xi1>, vector<16xf32>
        %parallel_loop3A_392 = vector.shape_cast %parallel_loop3A_355 : vector<16xi32> to vector<16x1xi32>
        %parallel_loop3A_393 = vector.shape_cast %parallel_loop3A_392 : vector<16x1xi32> to vector<16xi32>
        %parallel_loop3A_394 = tpu.dynamic_gather %parallel_loop3A_318[%parallel_loop3A_393] in [0] : vector<16xf32>, vector<16xi32> -> vector<16xf32>
        %parallel_loop3A_395 = arith.select %parallel_loop3A_352, %parallel_loop3A_394, %parallel_loop3A_334 : vector<16xi1>, vector<16xf32>
        %parallel_loop3A_396 = vector.shape_cast %parallel_loop3A_355 : vector<16xi32> to vector<16x1xi32>
        %parallel_loop3A_397 = vector.shape_cast %parallel_loop3A_396 : vector<16x1xi32> to vector<16xi32>
        %parallel_loop3A_398 = tpu.dynamic_gather %parallel_loop3A_342[%parallel_loop3A_397] in [0] : vector<16xf32>, vector<16xi32> -> vector<16xf32>
        %parallel_loop3A_399 = arith.select %parallel_loop3A_352, %parallel_loop3A_326, %parallel_loop3A_398 : vector<16xi1>, vector<16xf32>
        %parallel_loop3A_400 = vector.shape_cast %parallel_loop3A_355 : vector<16xi32> to vector<16x1xi32>
        %parallel_loop3A_401 = vector.shape_cast %parallel_loop3A_400 : vector<16x1xi32> to vector<16xi32>
        %parallel_loop3A_402 = tpu.dynamic_gather %parallel_loop3A_326[%parallel_loop3A_401] in [0] : vector<16xf32>, vector<16xi32> -> vector<16xf32>
        %parallel_loop3A_403 = arith.select %parallel_loop3A_352, %parallel_loop3A_402, %parallel_loop3A_342 : vector<16xi1>, vector<16xf32>
        %parallel_loop3A_404 = vector.shape_cast %parallel_loop3A_355 : vector<16xi32> to vector<16x1xi32>
        %parallel_loop3A_405 = vector.shape_cast %parallel_loop3A_404 : vector<16x1xi32> to vector<16xi32>
        %parallel_loop3A_406 = tpu.dynamic_gather %parallel_loop3A_338[%parallel_loop3A_405] in [0] : vector<16xf32>, vector<16xi32> -> vector<16xf32>
        %parallel_loop3A_407 = arith.select %parallel_loop3A_352, %parallel_loop3A_322, %parallel_loop3A_406 : vector<16xi1>, vector<16xf32>
        %parallel_loop3A_408 = vector.shape_cast %parallel_loop3A_355 : vector<16xi32> to vector<16x1xi32>
        %parallel_loop3A_409 = vector.shape_cast %parallel_loop3A_408 : vector<16x1xi32> to vector<16xi32>
        %parallel_loop3A_410 = tpu.dynamic_gather %parallel_loop3A_322[%parallel_loop3A_409] in [0] : vector<16xf32>, vector<16xi32> -> vector<16xf32>
        %parallel_loop3A_411 = arith.select %parallel_loop3A_352, %parallel_loop3A_410, %parallel_loop3A_338 : vector<16xi1>, vector<16xf32>
        %parallel_loop3A_412 = vector.shape_cast %parallel_loop3A_355 : vector<16xi32> to vector<16x1xi32>
        %parallel_loop3A_413 = vector.shape_cast %parallel_loop3A_412 : vector<16x1xi32> to vector<16xi32>
        %parallel_loop3A_414 = tpu.dynamic_gather %parallel_loop3A_346[%parallel_loop3A_413] in [0] : vector<16xf32>, vector<16xi32> -> vector<16xf32>
        %parallel_loop3A_415 = arith.select %parallel_loop3A_352, %parallel_loop3A_330, %parallel_loop3A_414 : vector<16xi1>, vector<16xf32>
        %parallel_loop3A_416 = vector.shape_cast %parallel_loop3A_355 : vector<16xi32> to vector<16x1xi32>
        %parallel_loop3A_417 = vector.shape_cast %parallel_loop3A_416 : vector<16x1xi32> to vector<16xi32>
        %parallel_loop3A_418 = tpu.dynamic_gather %parallel_loop3A_330[%parallel_loop3A_417] in [0] : vector<16xf32>, vector<16xi32> -> vector<16xf32>
        %parallel_loop3A_419 = arith.select %parallel_loop3A_352, %parallel_loop3A_418, %parallel_loop3A_346 : vector<16xi1>, vector<16xf32>
        %parallel_loop3A_420 = arith.constant 8 : i32
        %parallel_loop3A_421 = vector.broadcast %parallel_loop3A_420 : i32 to vector<16xi32>
        %parallel_loop3A_422 = arith.andi %iota3A, %parallel_loop3A_421 : vector<16xi32>
        %parallel_loop3A_423 = arith.constant 0 : i32
        %parallel_loop3A_424 = vector.broadcast %parallel_loop3A_423 : i32 to vector<16xi32>
        %parallel_loop3A_425 = arith.cmpi eq, %parallel_loop3A_422, %parallel_loop3A_424 : vector<16xi32>
        %parallel_loop3A_426 = arith.constant 8 : i32
        %parallel_loop3A_427 = vector.broadcast %parallel_loop3A_426 : i32 to vector<16xi32>
        %parallel_loop3A_428 = arith.xori %iota3A, %parallel_loop3A_427 : vector<16xi32>
        %parallel_loop3A_429 = vector.shape_cast %parallel_loop3A_428 : vector<16xi32> to vector<16x1xi32>
        %parallel_loop3A_430 = vector.shape_cast %parallel_loop3A_429 : vector<16x1xi32> to vector<16xi32>
        %parallel_loop3A_431 = tpu.dynamic_gather %parallel_loop3A_391[%parallel_loop3A_430] in [0] : vector<16xf32>, vector<16xi32> -> vector<16xf32>
        %parallel_loop3A_432 = arith.select %parallel_loop3A_425, %parallel_loop3A_359, %parallel_loop3A_431 : vector<16xi1>, vector<16xf32>
        %parallel_loop3A_433 = vector.shape_cast %parallel_loop3A_428 : vector<16xi32> to vector<16x1xi32>
        %parallel_loop3A_434 = vector.shape_cast %parallel_loop3A_433 : vector<16x1xi32> to vector<16xi32>
        %parallel_loop3A_435 = tpu.dynamic_gather %parallel_loop3A_359[%parallel_loop3A_434] in [0] : vector<16xf32>, vector<16xi32> -> vector<16xf32>
        %parallel_loop3A_436 = arith.select %parallel_loop3A_425, %parallel_loop3A_435, %parallel_loop3A_391 : vector<16xi1>, vector<16xf32>
        %parallel_loop3A_437 = vector.shape_cast %parallel_loop3A_428 : vector<16xi32> to vector<16x1xi32>
        %parallel_loop3A_438 = vector.shape_cast %parallel_loop3A_437 : vector<16x1xi32> to vector<16xi32>
        %parallel_loop3A_439 = tpu.dynamic_gather %parallel_loop3A_399[%parallel_loop3A_438] in [0] : vector<16xf32>, vector<16xi32> -> vector<16xf32>
        %parallel_loop3A_440 = arith.select %parallel_loop3A_425, %parallel_loop3A_367, %parallel_loop3A_439 : vector<16xi1>, vector<16xf32>
        %parallel_loop3A_441 = vector.shape_cast %parallel_loop3A_428 : vector<16xi32> to vector<16x1xi32>
        %parallel_loop3A_442 = vector.shape_cast %parallel_loop3A_441 : vector<16x1xi32> to vector<16xi32>
        %parallel_loop3A_443 = tpu.dynamic_gather %parallel_loop3A_367[%parallel_loop3A_442] in [0] : vector<16xf32>, vector<16xi32> -> vector<16xf32>
        %parallel_loop3A_444 = arith.select %parallel_loop3A_425, %parallel_loop3A_443, %parallel_loop3A_399 : vector<16xi1>, vector<16xf32>
        %parallel_loop3A_445 = vector.shape_cast %parallel_loop3A_428 : vector<16xi32> to vector<16x1xi32>
        %parallel_loop3A_446 = vector.shape_cast %parallel_loop3A_445 : vector<16x1xi32> to vector<16xi32>
        %parallel_loop3A_447 = tpu.dynamic_gather %parallel_loop3A_407[%parallel_loop3A_446] in [0] : vector<16xf32>, vector<16xi32> -> vector<16xf32>
        %parallel_loop3A_448 = arith.select %parallel_loop3A_425, %parallel_loop3A_375, %parallel_loop3A_447 : vector<16xi1>, vector<16xf32>
        %parallel_loop3A_449 = vector.shape_cast %parallel_loop3A_428 : vector<16xi32> to vector<16x1xi32>
        %parallel_loop3A_450 = vector.shape_cast %parallel_loop3A_449 : vector<16x1xi32> to vector<16xi32>
        %parallel_loop3A_451 = tpu.dynamic_gather %parallel_loop3A_375[%parallel_loop3A_450] in [0] : vector<16xf32>, vector<16xi32> -> vector<16xf32>
        %parallel_loop3A_452 = arith.select %parallel_loop3A_425, %parallel_loop3A_451, %parallel_loop3A_407 : vector<16xi1>, vector<16xf32>
        %parallel_loop3A_453 = vector.shape_cast %parallel_loop3A_428 : vector<16xi32> to vector<16x1xi32>
        %parallel_loop3A_454 = vector.shape_cast %parallel_loop3A_453 : vector<16x1xi32> to vector<16xi32>
        %parallel_loop3A_455 = tpu.dynamic_gather %parallel_loop3A_415[%parallel_loop3A_454] in [0] : vector<16xf32>, vector<16xi32> -> vector<16xf32>
        %parallel_loop3A_456 = arith.select %parallel_loop3A_425, %parallel_loop3A_383, %parallel_loop3A_455 : vector<16xi1>, vector<16xf32>
        %parallel_loop3A_457 = vector.shape_cast %parallel_loop3A_428 : vector<16xi32> to vector<16x1xi32>
        %parallel_loop3A_458 = vector.shape_cast %parallel_loop3A_457 : vector<16x1xi32> to vector<16xi32>
        %parallel_loop3A_459 = tpu.dynamic_gather %parallel_loop3A_383[%parallel_loop3A_458] in [0] : vector<16xf32>, vector<16xi32> -> vector<16xf32>
        %parallel_loop3A_460 = arith.select %parallel_loop3A_425, %parallel_loop3A_459, %parallel_loop3A_415 : vector<16xi1>, vector<16xf32>
        %parallel_loop3A_461 = vector.shape_cast %parallel_loop3A_428 : vector<16xi32> to vector<16x1xi32>
        %parallel_loop3A_462 = vector.shape_cast %parallel_loop3A_461 : vector<16x1xi32> to vector<16xi32>
        %parallel_loop3A_463 = tpu.dynamic_gather %parallel_loop3A_395[%parallel_loop3A_462] in [0] : vector<16xf32>, vector<16xi32> -> vector<16xf32>
        %parallel_loop3A_464 = arith.select %parallel_loop3A_425, %parallel_loop3A_363, %parallel_loop3A_463 : vector<16xi1>, vector<16xf32>
        %parallel_loop3A_465 = vector.shape_cast %parallel_loop3A_428 : vector<16xi32> to vector<16x1xi32>
        %parallel_loop3A_466 = vector.shape_cast %parallel_loop3A_465 : vector<16x1xi32> to vector<16xi32>
        %parallel_loop3A_467 = tpu.dynamic_gather %parallel_loop3A_363[%parallel_loop3A_466] in [0] : vector<16xf32>, vector<16xi32> -> vector<16xf32>
        %parallel_loop3A_468 = arith.select %parallel_loop3A_425, %parallel_loop3A_467, %parallel_loop3A_395 : vector<16xi1>, vector<16xf32>
        %parallel_loop3A_469 = vector.shape_cast %parallel_loop3A_428 : vector<16xi32> to vector<16x1xi32>
        %parallel_loop3A_470 = vector.shape_cast %parallel_loop3A_469 : vector<16x1xi32> to vector<16xi32>
        %parallel_loop3A_471 = tpu.dynamic_gather %parallel_loop3A_403[%parallel_loop3A_470] in [0] : vector<16xf32>, vector<16xi32> -> vector<16xf32>
        %parallel_loop3A_472 = arith.select %parallel_loop3A_425, %parallel_loop3A_371, %parallel_loop3A_471 : vector<16xi1>, vector<16xf32>
        %parallel_loop3A_473 = vector.shape_cast %parallel_loop3A_428 : vector<16xi32> to vector<16x1xi32>
        %parallel_loop3A_474 = vector.shape_cast %parallel_loop3A_473 : vector<16x1xi32> to vector<16xi32>
        %parallel_loop3A_475 = tpu.dynamic_gather %parallel_loop3A_371[%parallel_loop3A_474] in [0] : vector<16xf32>, vector<16xi32> -> vector<16xf32>
        %parallel_loop3A_476 = arith.select %parallel_loop3A_425, %parallel_loop3A_475, %parallel_loop3A_403 : vector<16xi1>, vector<16xf32>
        %parallel_loop3A_477 = vector.shape_cast %parallel_loop3A_428 : vector<16xi32> to vector<16x1xi32>
        %parallel_loop3A_478 = vector.shape_cast %parallel_loop3A_477 : vector<16x1xi32> to vector<16xi32>
        %parallel_loop3A_479 = tpu.dynamic_gather %parallel_loop3A_411[%parallel_loop3A_478] in [0] : vector<16xf32>, vector<16xi32> -> vector<16xf32>
        %parallel_loop3A_480 = arith.select %parallel_loop3A_425, %parallel_loop3A_379, %parallel_loop3A_479 : vector<16xi1>, vector<16xf32>
        %parallel_loop3A_481 = vector.shape_cast %parallel_loop3A_428 : vector<16xi32> to vector<16x1xi32>
        %parallel_loop3A_482 = vector.shape_cast %parallel_loop3A_481 : vector<16x1xi32> to vector<16xi32>
        %parallel_loop3A_483 = tpu.dynamic_gather %parallel_loop3A_379[%parallel_loop3A_482] in [0] : vector<16xf32>, vector<16xi32> -> vector<16xf32>
        %parallel_loop3A_484 = arith.select %parallel_loop3A_425, %parallel_loop3A_483, %parallel_loop3A_411 : vector<16xi1>, vector<16xf32>
        %parallel_loop3A_485 = vector.shape_cast %parallel_loop3A_428 : vector<16xi32> to vector<16x1xi32>
        %parallel_loop3A_486 = vector.shape_cast %parallel_loop3A_485 : vector<16x1xi32> to vector<16xi32>
        %parallel_loop3A_487 = tpu.dynamic_gather %parallel_loop3A_419[%parallel_loop3A_486] in [0] : vector<16xf32>, vector<16xi32> -> vector<16xf32>
        %parallel_loop3A_488 = arith.select %parallel_loop3A_425, %parallel_loop3A_387, %parallel_loop3A_487 : vector<16xi1>, vector<16xf32>
        %parallel_loop3A_489 = vector.shape_cast %parallel_loop3A_428 : vector<16xi32> to vector<16x1xi32>
        %parallel_loop3A_490 = vector.shape_cast %parallel_loop3A_489 : vector<16x1xi32> to vector<16xi32>
        %parallel_loop3A_491 = tpu.dynamic_gather %parallel_loop3A_387[%parallel_loop3A_490] in [0] : vector<16xf32>, vector<16xi32> -> vector<16xf32>
        %parallel_loop3A_492 = arith.select %parallel_loop3A_425, %parallel_loop3A_491, %parallel_loop3A_419 : vector<16xi1>, vector<16xf32>
        %parallel_loop3A_493 = arith.constant 16 : i32
        %parallel_loop3A_494 = arith.muli %parallel_loop3A_86, %parallel_loop3A_493 : i32
        %parallel_loop3A_495 = arith.constant 0 : i32
        %parallel_loop3A_496 = arith.addi %parallel_loop3A_494, %parallel_loop3A_495 : i32
        %parallel_loop3A_497 = arith.constant 128 : i32
        %parallel_loop3A_498 = arith.muli %mul3A_16, %parallel_loop3A_497 : i32
        %parallel_loop3A_499 = arith.addi %parallel_loop3A_498, %parallel_loop3A_88 : i32
        %parallel_loop3A_500 = arith.index_cast %parallel_loop3A_496 : i32 to index
        %parallel_loop3A_501 = arith.index_cast %parallel_loop3A_499 : i32 to index
        %parallel_loop3A_502 = tpu.vector_load %arg8[%parallel_loop3A_500, %parallel_loop3A_501] {strides = array<i32>} : memref<128x512xf32, #tpu.memory_space<vmem>>, vector<16xf32>,
        tpu.vector_store %arg8[%parallel_loop3A_500, %parallel_loop3A_501], %parallel_loop3A_432 {strides = array<i32>} : memref<128x512xf32, #tpu.memory_space<vmem>>, vector<16xf32>,
        %parallel_loop3A_503 = arith.constant 16 : i32
        %parallel_loop3A_504 = arith.muli %parallel_loop3A_86, %parallel_loop3A_503 : i32
        %parallel_loop3A_505 = arith.constant 1 : i32
        %parallel_loop3A_506 = arith.addi %parallel_loop3A_504, %parallel_loop3A_505 : i32
        %parallel_loop3A_507 = arith.constant 128 : i32
        %parallel_loop3A_508 = arith.muli %mul3A_16, %parallel_loop3A_507 : i32
        %parallel_loop3A_509 = arith.addi %parallel_loop3A_508, %parallel_loop3A_88 : i32
        %parallel_loop3A_510 = arith.index_cast %parallel_loop3A_506 : i32 to index
        %parallel_loop3A_511 = arith.index_cast %parallel_loop3A_509 : i32 to index
        %parallel_loop3A_512 = tpu.vector_load %arg8[%parallel_loop3A_510, %parallel_loop3A_511] {strides = array<i32>} : memref<128x512xf32, #tpu.memory_space<vmem>>, vector<16xf32>,
        tpu.vector_store %arg8[%parallel_loop3A_510, %parallel_loop3A_511], %parallel_loop3A_440 {strides = array<i32>} : memref<128x512xf32, #tpu.memory_space<vmem>>, vector<16xf32>,
        %parallel_loop3A_513 = arith.constant 16 : i32
        %parallel_loop3A_514 = arith.muli %parallel_loop3A_86, %parallel_loop3A_513 : i32
        %parallel_loop3A_515 = arith.constant 2 : i32
        %parallel_loop3A_516 = arith.addi %parallel_loop3A_514, %parallel_loop3A_515 : i32
        %parallel_loop3A_517 = arith.constant 128 : i32
        %parallel_loop3A_518 = arith.muli %mul3A_16, %parallel_loop3A_517 : i32
        %parallel_loop3A_519 = arith.addi %parallel_loop3A_518, %parallel_loop3A_88 : i32
        %parallel_loop3A_520 = arith.index_cast %parallel_loop3A_516 : i32 to index
        %parallel_loop3A_521 = arith.index_cast %parallel_loop3A_519 : i32 to index
        %parallel_loop3A_522 = tpu.vector_load %arg8[%parallel_loop3A_520, %parallel_loop3A_521] {strides = array<i32>} : memref<128x512xf32, #tpu.memory_space<vmem>>, vector<16xf32>,
        tpu.vector_store %arg8[%parallel_loop3A_520, %parallel_loop3A_521], %parallel_loop3A_448 {strides = array<i32>} : memref<128x512xf32, #tpu.memory_space<vmem>>, vector<16xf32>,
        %parallel_loop3A_523 = arith.constant 16 : i32
        %parallel_loop3A_524 = arith.muli %parallel_loop3A_86, %parallel_loop3A_523 : i32
        %parallel_loop3A_525 = arith.constant 3 : i32
        %parallel_loop3A_526 = arith.addi %parallel_loop3A_524, %parallel_loop3A_525 : i32
        %parallel_loop3A_527 = arith.constant 128 : i32
        %parallel_loop3A_528 = arith.muli %mul3A_16, %parallel_loop3A_527 : i32
        %parallel_loop3A_529 = arith.addi %parallel_loop3A_528, %parallel_loop3A_88 : i32
        %parallel_loop3A_530 = arith.index_cast %parallel_loop3A_526 : i32 to index
        %parallel_loop3A_531 = arith.index_cast %parallel_loop3A_529 : i32 to index
        %parallel_loop3A_532 = tpu.vector_load %arg8[%parallel_loop3A_530, %parallel_loop3A_531] {strides = array<i32>} : memref<128x512xf32, #tpu.memory_space<vmem>>, vector<16xf32>,
        tpu.vector_store %arg8[%parallel_loop3A_530, %parallel_loop3A_531], %parallel_loop3A_456 {strides = array<i32>} : memref<128x512xf32, #tpu.memory_space<vmem>>, vector<16xf32>,
        %parallel_loop3A_533 = arith.constant 16 : i32
        %parallel_loop3A_534 = arith.muli %parallel_loop3A_86, %parallel_loop3A_533 : i32
        %parallel_loop3A_535 = arith.constant 4 : i32
        %parallel_loop3A_536 = arith.addi %parallel_loop3A_534, %parallel_loop3A_535 : i32
        %parallel_loop3A_537 = arith.constant 128 : i32
        %parallel_loop3A_538 = arith.muli %mul3A_16, %parallel_loop3A_537 : i32
        %parallel_loop3A_539 = arith.addi %parallel_loop3A_538, %parallel_loop3A_88 : i32
        %parallel_loop3A_540 = arith.index_cast %parallel_loop3A_536 : i32 to index
        %parallel_loop3A_541 = arith.index_cast %parallel_loop3A_539 : i32 to index
        %parallel_loop3A_542 = tpu.vector_load %arg8[%parallel_loop3A_540, %parallel_loop3A_541] {strides = array<i32>} : memref<128x512xf32, #tpu.memory_space<vmem>>, vector<16xf32>,
        tpu.vector_store %arg8[%parallel_loop3A_540, %parallel_loop3A_541], %parallel_loop3A_464 {strides = array<i32>} : memref<128x512xf32, #tpu.memory_space<vmem>>, vector<16xf32>,
        %parallel_loop3A_543 = arith.constant 16 : i32
        %parallel_loop3A_544 = arith.muli %parallel_loop3A_86, %parallel_loop3A_543 : i32
        %parallel_loop3A_545 = arith.constant 5 : i32
        %parallel_loop3A_546 = arith.addi %parallel_loop3A_544, %parallel_loop3A_545 : i32
        %parallel_loop3A_547 = arith.constant 128 : i32
        %parallel_loop3A_548 = arith.muli %mul3A_16, %parallel_loop3A_547 : i32
        %parallel_loop3A_549 = arith.addi %parallel_loop3A_548, %parallel_loop3A_88 : i32
        %parallel_loop3A_550 = arith.index_cast %parallel_loop3A_546 : i32 to index
        %parallel_loop3A_551 = arith.index_cast %parallel_loop3A_549 : i32 to index
        %parallel_loop3A_552 = tpu.vector_load %arg8[%parallel_loop3A_550, %parallel_loop3A_551] {strides = array<i32>} : memref<128x512xf32, #tpu.memory_space<vmem>>, vector<16xf32>,
        tpu.vector_store %arg8[%parallel_loop3A_550, %parallel_loop3A_551], %parallel_loop3A_472 {strides = array<i32>} : memref<128x512xf32, #tpu.memory_space<vmem>>, vector<16xf32>,
        %parallel_loop3A_553 = arith.constant 16 : i32
        %parallel_loop3A_554 = arith.muli %parallel_loop3A_86, %parallel_loop3A_553 : i32
        %parallel_loop3A_555 = arith.constant 6 : i32
        %parallel_loop3A_556 = arith.addi %parallel_loop3A_554, %parallel_loop3A_555 : i32
        %parallel_loop3A_557 = arith.constant 128 : i32
        %parallel_loop3A_558 = arith.muli %mul3A_16, %parallel_loop3A_557 : i32
        %parallel_loop3A_559 = arith.addi %parallel_loop3A_558, %parallel_loop3A_88 : i32
        %parallel_loop3A_560 = arith.index_cast %parallel_loop3A_556 : i32 to index
        %parallel_loop3A_561 = arith.index_cast %parallel_loop3A_559 : i32 to index
        %parallel_loop3A_562 = tpu.vector_load %arg8[%parallel_loop3A_560, %parallel_loop3A_561] {strides = array<i32>} : memref<128x512xf32, #tpu.memory_space<vmem>>, vector<16xf32>,
        tpu.vector_store %arg8[%parallel_loop3A_560, %parallel_loop3A_561], %parallel_loop3A_480 {strides = array<i32>} : memref<128x512xf32, #tpu.memory_space<vmem>>, vector<16xf32>,
        %parallel_loop3A_563 = arith.constant 16 : i32
        %parallel_loop3A_564 = arith.muli %parallel_loop3A_86, %parallel_loop3A_563 : i32
        %parallel_loop3A_565 = arith.constant 7 : i32
        %parallel_loop3A_566 = arith.addi %parallel_loop3A_564, %parallel_loop3A_565 : i32
        %parallel_loop3A_567 = arith.constant 128 : i32
        %parallel_loop3A_568 = arith.muli %mul3A_16, %parallel_loop3A_567 : i32
        %parallel_loop3A_569 = arith.addi %parallel_loop3A_568, %parallel_loop3A_88 : i32
        %parallel_loop3A_570 = arith.index_cast %parallel_loop3A_566 : i32 to index
        %parallel_loop3A_571 = arith.index_cast %parallel_loop3A_569 : i32 to index
        %parallel_loop3A_572 = tpu.vector_load %arg8[%parallel_loop3A_570, %parallel_loop3A_571] {strides = array<i32>} : memref<128x512xf32, #tpu.memory_space<vmem>>, vector<16xf32>,
        tpu.vector_store %arg8[%parallel_loop3A_570, %parallel_loop3A_571], %parallel_loop3A_488 {strides = array<i32>} : memref<128x512xf32, #tpu.memory_space<vmem>>, vector<16xf32>,
        %parallel_loop3A_573 = arith.constant 16 : i32
        %parallel_loop3A_574 = arith.muli %parallel_loop3A_86, %parallel_loop3A_573 : i32
        %parallel_loop3A_575 = arith.constant 8 : i32
        %parallel_loop3A_576 = arith.addi %parallel_loop3A_574, %parallel_loop3A_575 : i32
        %parallel_loop3A_577 = arith.constant 128 : i32
        %parallel_loop3A_578 = arith.muli %mul3A_16, %parallel_loop3A_577 : i32
        %parallel_loop3A_579 = arith.addi %parallel_loop3A_578, %parallel_loop3A_88 : i32
        %parallel_loop3A_580 = arith.index_cast %parallel_loop3A_576 : i32 to index
        %parallel_loop3A_581 = arith.index_cast %parallel_loop3A_579 : i32 to index
        %parallel_loop3A_582 = tpu.vector_load %arg8[%parallel_loop3A_580, %parallel_loop3A_581] {strides = array<i32>} : memref<128x512xf32, #tpu.memory_space<vmem>>, vector<16xf32>,
        tpu.vector_store %arg8[%parallel_loop3A_580, %parallel_loop3A_581], %parallel_loop3A_436 {strides = array<i32>} : memref<128x512xf32, #tpu.memory_space<vmem>>, vector<16xf32>,
        %parallel_loop3A_583 = arith.constant 16 : i32
        %parallel_loop3A_584 = arith.muli %parallel_loop3A_86, %parallel_loop3A_583 : i32
        %parallel_loop3A_585 = arith.constant 9 : i32
        %parallel_loop3A_586 = arith.addi %parallel_loop3A_584, %parallel_loop3A_585 : i32
        %parallel_loop3A_587 = arith.constant 128 : i32
        %parallel_loop3A_588 = arith.muli %mul3A_16, %parallel_loop3A_587 : i32
        %parallel_loop3A_589 = arith.addi %parallel_loop3A_588, %parallel_loop3A_88 : i32
        %parallel_loop3A_590 = arith.index_cast %parallel_loop3A_586 : i32 to index
        %parallel_loop3A_591 = arith.index_cast %parallel_loop3A_589 : i32 to index
        %parallel_loop3A_592 = tpu.vector_load %arg8[%parallel_loop3A_590, %parallel_loop3A_591] {strides = array<i32>} : memref<128x512xf32, #tpu.memory_space<vmem>>, vector<16xf32>,
        tpu.vector_store %arg8[%parallel_loop3A_590, %parallel_loop3A_591], %parallel_loop3A_444 {strides = array<i32>} : memref<128x512xf32, #tpu.memory_space<vmem>>, vector<16xf32>,
        %parallel_loop3A_593 = arith.constant 16 : i32
        %parallel_loop3A_594 = arith.muli %parallel_loop3A_86, %parallel_loop3A_593 : i32
        %parallel_loop3A_595 = arith.constant 10 : i32
        %parallel_loop3A_596 = arith.addi %parallel_loop3A_594, %parallel_loop3A_595 : i32
        %parallel_loop3A_597 = arith.constant 128 : i32
        %parallel_loop3A_598 = arith.muli %mul3A_16, %parallel_loop3A_597 : i32
        %parallel_loop3A_599 = arith.addi %parallel_loop3A_598, %parallel_loop3A_88 : i32
        %parallel_loop3A_600 = arith.index_cast %parallel_loop3A_596 : i32 to index
        %parallel_loop3A_601 = arith.index_cast %parallel_loop3A_599 : i32 to index
        %parallel_loop3A_602 = tpu.vector_load %arg8[%parallel_loop3A_600, %parallel_loop3A_601] {strides = array<i32>} : memref<128x512xf32, #tpu.memory_space<vmem>>, vector<16xf32>,
        tpu.vector_store %arg8[%parallel_loop3A_600, %parallel_loop3A_601], %parallel_loop3A_452 {strides = array<i32>} : memref<128x512xf32, #tpu.memory_space<vmem>>, vector<16xf32>,
        %parallel_loop3A_603 = arith.constant 16 : i32
        %parallel_loop3A_604 = arith.muli %parallel_loop3A_86, %parallel_loop3A_603 : i32
        %parallel_loop3A_605 = arith.constant 11 : i32
        %parallel_loop3A_606 = arith.addi %parallel_loop3A_604, %parallel_loop3A_605 : i32
        %parallel_loop3A_607 = arith.constant 128 : i32
        %parallel_loop3A_608 = arith.muli %mul3A_16, %parallel_loop3A_607 : i32
        %parallel_loop3A_609 = arith.addi %parallel_loop3A_608, %parallel_loop3A_88 : i32
        %parallel_loop3A_610 = arith.index_cast %parallel_loop3A_606 : i32 to index
        %parallel_loop3A_611 = arith.index_cast %parallel_loop3A_609 : i32 to index
        %parallel_loop3A_612 = tpu.vector_load %arg8[%parallel_loop3A_610, %parallel_loop3A_611] {strides = array<i32>} : memref<128x512xf32, #tpu.memory_space<vmem>>, vector<16xf32>,
        tpu.vector_store %arg8[%parallel_loop3A_610, %parallel_loop3A_611], %parallel_loop3A_460 {strides = array<i32>} : memref<128x512xf32, #tpu.memory_space<vmem>>, vector<16xf32>,
        %parallel_loop3A_613 = arith.constant 16 : i32
        %parallel_loop3A_614 = arith.muli %parallel_loop3A_86, %parallel_loop3A_613 : i32
        %parallel_loop3A_615 = arith.constant 12 : i32
        %parallel_loop3A_616 = arith.addi %parallel_loop3A_614, %parallel_loop3A_615 : i32
        %parallel_loop3A_617 = arith.constant 128 : i32
        %parallel_loop3A_618 = arith.muli %mul3A_16, %parallel_loop3A_617 : i32
        %parallel_loop3A_619 = arith.addi %parallel_loop3A_618, %parallel_loop3A_88 : i32
        %parallel_loop3A_620 = arith.index_cast %parallel_loop3A_616 : i32 to index
        %parallel_loop3A_621 = arith.index_cast %parallel_loop3A_619 : i32 to index
        %parallel_loop3A_622 = tpu.vector_load %arg8[%parallel_loop3A_620, %parallel_loop3A_621] {strides = array<i32>} : memref<128x512xf32, #tpu.memory_space<vmem>>, vector<16xf32>,
        tpu.vector_store %arg8[%parallel_loop3A_620, %parallel_loop3A_621], %parallel_loop3A_468 {strides = array<i32>} : memref<128x512xf32, #tpu.memory_space<vmem>>, vector<16xf32>,
        %parallel_loop3A_623 = arith.constant 16 : i32
        %parallel_loop3A_624 = arith.muli %parallel_loop3A_86, %parallel_loop3A_623 : i32
        %parallel_loop3A_625 = arith.constant 13 : i32
        %parallel_loop3A_626 = arith.addi %parallel_loop3A_624, %parallel_loop3A_625 : i32
        %parallel_loop3A_627 = arith.constant 128 : i32
        %parallel_loop3A_628 = arith.muli %mul3A_16, %parallel_loop3A_627 : i32
        %parallel_loop3A_629 = arith.addi %parallel_loop3A_628, %parallel_loop3A_88 : i32
        %parallel_loop3A_630 = arith.index_cast %parallel_loop3A_626 : i32 to index
        %parallel_loop3A_631 = arith.index_cast %parallel_loop3A_629 : i32 to index
        %parallel_loop3A_632 = tpu.vector_load %arg8[%parallel_loop3A_630, %parallel_loop3A_631] {strides = array<i32>} : memref<128x512xf32, #tpu.memory_space<vmem>>, vector<16xf32>,
        tpu.vector_store %arg8[%parallel_loop3A_630, %parallel_loop3A_631], %parallel_loop3A_476 {strides = array<i32>} : memref<128x512xf32, #tpu.memory_space<vmem>>, vector<16xf32>,
        %parallel_loop3A_633 = arith.constant 16 : i32
        %parallel_loop3A_634 = arith.muli %parallel_loop3A_86, %parallel_loop3A_633 : i32
        %parallel_loop3A_635 = arith.constant 14 : i32
        %parallel_loop3A_636 = arith.addi %parallel_loop3A_634, %parallel_loop3A_635 : i32
        %parallel_loop3A_637 = arith.constant 128 : i32
        %parallel_loop3A_638 = arith.muli %mul3A_16, %parallel_loop3A_637 : i32
        %parallel_loop3A_639 = arith.addi %parallel_loop3A_638, %parallel_loop3A_88 : i32
        %parallel_loop3A_640 = arith.index_cast %parallel_loop3A_636 : i32 to index
        %parallel_loop3A_641 = arith.index_cast %parallel_loop3A_639 : i32 to index
        %parallel_loop3A_642 = tpu.vector_load %arg8[%parallel_loop3A_640, %parallel_loop3A_641] {strides = array<i32>} : memref<128x512xf32, #tpu.memory_space<vmem>>, vector<16xf32>,
        tpu.vector_store %arg8[%parallel_loop3A_640, %parallel_loop3A_641], %parallel_loop3A_484 {strides = array<i32>} : memref<128x512xf32, #tpu.memory_space<vmem>>, vector<16xf32>,
        %parallel_loop3A_643 = arith.constant 16 : i32
        %parallel_loop3A_644 = arith.muli %parallel_loop3A_86, %parallel_loop3A_643 : i32
        %parallel_loop3A_645 = arith.constant 15 : i32
        %parallel_loop3A_646 = arith.addi %parallel_loop3A_644, %parallel_loop3A_645 : i32
        %parallel_loop3A_647 = arith.constant 128 : i32
        %parallel_loop3A_648 = arith.muli %mul3A_16, %parallel_loop3A_647 : i32
        %parallel_loop3A_649 = arith.addi %parallel_loop3A_648, %parallel_loop3A_88 : i32
        %parallel_loop3A_650 = arith.index_cast %parallel_loop3A_646 : i32 to index
        %parallel_loop3A_651 = arith.index_cast %parallel_loop3A_649 : i32 to index
        %parallel_loop3A_652 = tpu.vector_load %arg8[%parallel_loop3A_650, %parallel_loop3A_651] {strides = array<i32>} : memref<128x512xf32, #tpu.memory_space<vmem>>, vector<16xf32>,
        tpu.vector_store %arg8[%parallel_loop3A_650, %parallel_loop3A_651], %parallel_loop3A_492 {strides = array<i32>} : memref<128x512xf32, #tpu.memory_space<vmem>>, vector<16xf32>,
      } {sc.loop_unroll_factor = 2 : i64, sc.parallel_access}
      %add3A_31 = arith.constant 1 : i32
      %add3A_32 = arith.addi %scan3A_13, %add3A_31 : i32
      %lt3A = arith.constant 2 : i32
      %lt3A_33 = arith.cmpi slt, %add3A_32, %lt3A : i32
      %convert_element_type3A = arith.extui %lt3A_33 : i1 to i32
      %cond3A = arith.constant 0 : i32
      %cond3A_34 = arith.cmpi ne, %convert_element_type3A, %cond3A : i32
      scf.if %cond3A_34 {
        %add3A_46 = arith.constant 2 : i32
        %add3A_47 = arith.addi %mul3A_16, %add3A_46 : i32
        %mul3A_48 = arith.constant 128 : i32
        %mul3A_49 = arith.muli %add3A_47, %mul3A_48 : i32
        %dma_start3A_50 = tpu.memref_slice %arg5[%mul3A_49] : memref<512xi32, #tpu.memory_space<vmem>> -> memref<128xi32, #tpu.memory_space<vmem>>
        %dma_start3A_51 = arith.constant 0 : i32
        %dma_start3A_52 = arith.constant 0 : i32
        %dma_start3A_53 = tpu.memref_slice %arg2[%dma_start3A_51, %dma_start3A_52] : memref<100000x128xf32, #tpu.memory_space<hbm>> -> memref<100000x128xf32, #tpu.memory_space<hbm>>
        tpu.enqueue_indirect_dma source(%dma_start3A_53 : memref<100000x128xf32, #tpu.memory_space<hbm>>) target(%arg6 : memref<128x128xf32, #tpu.memory_space<vmem>>) offsets(%dma_start3A_50 : memref<128xi32, #tpu.memory_space<vmem>>) semaphore(%arg9 : memref<!tpu.dma_semaphore, #tpu.memory_space<semaphore_mem>>)
      } else {
      }
      %dma_wait3A_35 = arith.constant 0 : i32
      %dma_wait3A_36 = tpu.memref_slice %arg5[%dma_wait3A_35] : memref<512xi32, #tpu.memory_space<vmem>> -> memref<128xi32, #tpu.memory_space<vmem>>
      %dma_wait3A_37 = arith.constant 0 : i32
      %dma_wait3A_38 = arith.constant 0 : i32
      %dma_wait3A_39 = tpu.memref_slice %arg2[%dma_wait3A_37, %dma_wait3A_38] : memref<100000x128xf32, #tpu.memory_space<hbm>> -> memref<100000x128xf32, #tpu.memory_space<hbm>>
      tpu.wait_indirect_dma semaphore(%arg10 : memref<!tpu.dma_semaphore, #tpu.memory_space<semaphore_mem>>) src(%dma_wait3A_39 : memref<100000x128xf32, #tpu.memory_space<hbm>>) dst(%arg7 : memref<128x128xf32, #tpu.memory_space<vmem>>)
      %add3A_40 = arith.constant 1 : i32
      %add3A_41 = arith.addi %mul3A_16, %add3A_40 : i32
      %parallel_loop3A_42 = arith.constant 0 : i32
      %parallel_loop3A_43 = arith.constant 64 : i32
      %parallel_loop3A_44 = arith.constant 1 : i32
      scf.for %parallel_loop3A_46 = %parallel_loop3A_42 to %parallel_loop3A_43 step %parallel_loop3A_44  : i32 {
        %parallel_loop3A_47 = arith.constant 8 : i32
        %parallel_loop3A_48 = arith.divsi %parallel_loop3A_46, %parallel_loop3A_47 : i32
        %parallel_loop3A_49 = arith.constant 0 : i32
        %parallel_loop3A_50 = arith.cmpi sgt, %parallel_loop3A_46, %parallel_loop3A_49 : i32
        %parallel_loop3A_51 = arith.extui %parallel_loop3A_50 : i1 to i32
        %parallel_loop3A_52 = arith.constant 0 : i32
        %parallel_loop3A_53 = arith.cmpi slt, %parallel_loop3A_46, %parallel_loop3A_52 : i32
        %parallel_loop3A_54 = arith.extui %parallel_loop3A_53 : i1 to i32
        %parallel_loop3A_55 = arith.subi %parallel_loop3A_51, %parallel_loop3A_54 : i32
        %parallel_loop3A_56 = arith.constant 0 : i32
        %parallel_loop3A_57 = arith.cmpi sgt, %parallel_loop3A_47, %parallel_loop3A_56 : i32
        %parallel_loop3A_58 = arith.extui %parallel_loop3A_57 : i1 to i32
        %parallel_loop3A_59 = arith.constant 0 : i32
        %parallel_loop3A_60 = arith.cmpi slt, %parallel_loop3A_47, %parallel_loop3A_59 : i32
        %parallel_loop3A_61 = arith.extui %parallel_loop3A_60 : i1 to i32
        %parallel_loop3A_62 = arith.subi %parallel_loop3A_58, %parallel_loop3A_61 : i32
        %parallel_loop3A_63 = arith.cmpi ne, %parallel_loop3A_55, %parallel_loop3A_62 : i32
        %parallel_loop3A_64 = arith.remsi %parallel_loop3A_46, %parallel_loop3A_47 : i32
        %parallel_loop3A_65 = arith.constant 0 : i32
        %parallel_loop3A_66 = arith.cmpi ne, %parallel_loop3A_64, %parallel_loop3A_65 : i32
        %parallel_loop3A_67 = arith.andi %parallel_loop3A_63, %parallel_loop3A_66 : i1
        %parallel_loop3A_68 = arith.constant 1 : i32
        %parallel_loop3A_69 = arith.subi %parallel_loop3A_48, %parallel_loop3A_68 : i32
        %parallel_loop3A_70 = arith.select %parallel_loop3A_67, %parallel_loop3A_69, %parallel_loop3A_48 : i32
        %parallel_loop3A_71 = arith.constant 8 : i32
        %parallel_loop3A_72 = arith.constant 0 : i32
        %parallel_loop3A_73 = arith.cmpi eq, %parallel_loop3A_71, %parallel_loop3A_72 : i32
        %parallel_loop3A_74 = arith.constant 1 : i32
        %parallel_loop3A_75 = arith.select %parallel_loop3A_73, %parallel_loop3A_74, %parallel_loop3A_71 : i32
        %parallel_loop3A_76 = arith.remsi %parallel_loop3A_46, %parallel_loop3A_75 : i32
        %parallel_loop3A_77 = arith.constant 0 : i32
        %parallel_loop3A_78 = arith.cmpi ne, %parallel_loop3A_76, %parallel_loop3A_77 : i32
        %parallel_loop3A_79 = arith.constant 0 : i32
        %parallel_loop3A_80 = arith.cmpi slt, %parallel_loop3A_76, %parallel_loop3A_79 : i32
        %parallel_loop3A_81 = arith.constant 0 : i32
        %parallel_loop3A_82 = arith.cmpi slt, %parallel_loop3A_75, %parallel_loop3A_81 : i32
        %parallel_loop3A_83 = arith.xori %parallel_loop3A_80, %parallel_loop3A_82 : i1
        %parallel_loop3A_84 = arith.andi %parallel_loop3A_83, %parallel_loop3A_78 : i1
        %parallel_loop3A_85 = arith.addi %parallel_loop3A_76, %parallel_loop3A_75 : i32
        %parallel_loop3A_86 = arith.select %parallel_loop3A_84, %parallel_loop3A_85, %parallel_loop3A_76 : i32
        %parallel_loop3A_87 = arith.constant 16 : i32
        %parallel_loop3A_88 = arith.muli %parallel_loop3A_70, %parallel_loop3A_87 : i32
        %parallel_loop3A_89 = arith.constant 0 : i32
        %parallel_loop3A_90 = arith.addi %parallel_loop3A_88, %parallel_loop3A_89 : i32
        %parallel_loop3A_91 = arith.constant 16 : i32
        %parallel_loop3A_92 = arith.muli %parallel_loop3A_86, %parallel_loop3A_91 : i32
        %parallel_loop3A_93 = arith.index_cast %parallel_loop3A_90 : i32 to index
        %parallel_loop3A_94 = arith.index_cast %parallel_loop3A_92 : i32 to index
        %parallel_loop3A_95 = tpu.vector_load %arg7[%parallel_loop3A_93, %parallel_loop3A_94] {strides = array<i32>} : memref<128x128xf32, #tpu.memory_space<vmem>>, vector<16xf32>,
        %parallel_loop3A_96 = arith.constant 1 : i32
        %parallel_loop3A_97 = arith.addi %parallel_loop3A_88, %parallel_loop3A_96 : i32
        %parallel_loop3A_98 = arith.constant 16 : i32
        %parallel_loop3A_99 = arith.muli %parallel_loop3A_86, %parallel_loop3A_98 : i32
        %parallel_loop3A_100 = arith.index_cast %parallel_loop3A_97 : i32 to index
        %parallel_loop3A_101 = arith.index_cast %parallel_loop3A_99 : i32 to index
        %parallel_loop3A_102 = tpu.vector_load %arg7[%parallel_loop3A_100, %parallel_loop3A_101] {strides = array<i32>} : memref<128x128xf32, #tpu.memory_space<vmem>>, vector<16xf32>,
        %parallel_loop3A_103 = arith.constant 2 : i32
        %parallel_loop3A_104 = arith.addi %parallel_loop3A_88, %parallel_loop3A_103 : i32
        %parallel_loop3A_105 = arith.constant 16 : i32
        %parallel_loop3A_106 = arith.muli %parallel_loop3A_86, %parallel_loop3A_105 : i32
        %parallel_loop3A_107 = arith.index_cast %parallel_loop3A_104 : i32 to index
        %parallel_loop3A_108 = arith.index_cast %parallel_loop3A_106 : i32 to index
        %parallel_loop3A_109 = tpu.vector_load %arg7[%parallel_loop3A_107, %parallel_loop3A_108] {strides = array<i32>} : memref<128x128xf32, #tpu.memory_space<vmem>>, vector<16xf32>,
        %parallel_loop3A_110 = arith.constant 3 : i32
        %parallel_loop3A_111 = arith.addi %parallel_loop3A_88, %parallel_loop3A_110 : i32
        %parallel_loop3A_112 = arith.constant 16 : i32
        %parallel_loop3A_113 = arith.muli %parallel_loop3A_86, %parallel_loop3A_112 : i32
        %parallel_loop3A_114 = arith.index_cast %parallel_loop3A_111 : i32 to index
        %parallel_loop3A_115 = arith.index_cast %parallel_loop3A_113 : i32 to index
        %parallel_loop3A_116 = tpu.vector_load %arg7[%parallel_loop3A_114, %parallel_loop3A_115] {strides = array<i32>} : memref<128x128xf32, #tpu.memory_space<vmem>>, vector<16xf32>,
        %parallel_loop3A_117 = arith.constant 4 : i32
        %parallel_loop3A_118 = arith.addi %parallel_loop3A_88, %parallel_loop3A_117 : i32
        %parallel_loop3A_119 = arith.constant 16 : i32
        %parallel_loop3A_120 = arith.muli %parallel_loop3A_86, %parallel_loop3A_119 : i32
        %parallel_loop3A_121 = arith.index_cast %parallel_loop3A_118 : i32 to index
        %parallel_loop3A_122 = arith.index_cast %parallel_loop3A_120 : i32 to index
        %parallel_loop3A_123 = tpu.vector_load %arg7[%parallel_loop3A_121, %parallel_loop3A_122] {strides = array<i32>} : memref<128x128xf32, #tpu.memory_space<vmem>>, vector<16xf32>,
        %parallel_loop3A_124 = arith.constant 5 : i32
        %parallel_loop3A_125 = arith.addi %parallel_loop3A_88, %parallel_loop3A_124 : i32
        %parallel_loop3A_126 = arith.constant 16 : i32
        %parallel_loop3A_127 = arith.muli %parallel_loop3A_86, %parallel_loop3A_126 : i32
        %parallel_loop3A_128 = arith.index_cast %parallel_loop3A_125 : i32 to index
        %parallel_loop3A_129 = arith.index_cast %parallel_loop3A_127 : i32 to index
        %parallel_loop3A_130 = tpu.vector_load %arg7[%parallel_loop3A_128, %parallel_loop3A_129] {strides = array<i32>} : memref<128x128xf32, #tpu.memory_space<vmem>>, vector<16xf32>,
        %parallel_loop3A_131 = arith.constant 6 : i32
        %parallel_loop3A_132 = arith.addi %parallel_loop3A_88, %parallel_loop3A_131 : i32
        %parallel_loop3A_133 = arith.constant 16 : i32
        %parallel_loop3A_134 = arith.muli %parallel_loop3A_86, %parallel_loop3A_133 : i32
        %parallel_loop3A_135 = arith.index_cast %parallel_loop3A_132 : i32 to index
        %parallel_loop3A_136 = arith.index_cast %parallel_loop3A_134 : i32 to index
        %parallel_loop3A_137 = tpu.vector_load %arg7[%parallel_loop3A_135, %parallel_loop3A_136] {strides = array<i32>} : memref<128x128xf32, #tpu.memory_space<vmem>>, vector<16xf32>,
        %parallel_loop3A_138 = arith.constant 7 : i32
        %parallel_loop3A_139 = arith.addi %parallel_loop3A_88, %parallel_loop3A_138 : i32
        %parallel_loop3A_140 = arith.constant 16 : i32
        %parallel_loop3A_141 = arith.muli %parallel_loop3A_86, %parallel_loop3A_140 : i32
        %parallel_loop3A_142 = arith.index_cast %parallel_loop3A_139 : i32 to index
        %parallel_loop3A_143 = arith.index_cast %parallel_loop3A_141 : i32 to index
        %parallel_loop3A_144 = tpu.vector_load %arg7[%parallel_loop3A_142, %parallel_loop3A_143] {strides = array<i32>} : memref<128x128xf32, #tpu.memory_space<vmem>>, vector<16xf32>,
        %parallel_loop3A_145 = arith.constant 8 : i32
        %parallel_loop3A_146 = arith.addi %parallel_loop3A_88, %parallel_loop3A_145 : i32
        %parallel_loop3A_147 = arith.constant 16 : i32
        %parallel_loop3A_148 = arith.muli %parallel_loop3A_86, %parallel_loop3A_147 : i32
        %parallel_loop3A_149 = arith.index_cast %parallel_loop3A_146 : i32 to index
        %parallel_loop3A_150 = arith.index_cast %parallel_loop3A_148 : i32 to index
        %parallel_loop3A_151 = tpu.vector_load %arg7[%parallel_loop3A_149, %parallel_loop3A_150] {strides = array<i32>} : memref<128x128xf32, #tpu.memory_space<vmem>>, vector<16xf32>,
        %parallel_loop3A_152 = arith.constant 9 : i32
        %parallel_loop3A_153 = arith.addi %parallel_loop3A_88, %parallel_loop3A_152 : i32
        %parallel_loop3A_154 = arith.constant 16 : i32
        %parallel_loop3A_155 = arith.muli %parallel_loop3A_86, %parallel_loop3A_154 : i32
        %parallel_loop3A_156 = arith.index_cast %parallel_loop3A_153 : i32 to index
        %parallel_loop3A_157 = arith.index_cast %parallel_loop3A_155 : i32 to index
        %parallel_loop3A_158 = tpu.vector_load %arg7[%parallel_loop3A_156, %parallel_loop3A_157] {strides = array<i32>} : memref<128x128xf32, #tpu.memory_space<vmem>>, vector<16xf32>,
        %parallel_loop3A_159 = arith.constant 10 : i32
        %parallel_loop3A_160 = arith.addi %parallel_loop3A_88, %parallel_loop3A_159 : i32
        %parallel_loop3A_161 = arith.constant 16 : i32
        %parallel_loop3A_162 = arith.muli %parallel_loop3A_86, %parallel_loop3A_161 : i32
        %parallel_loop3A_163 = arith.index_cast %parallel_loop3A_160 : i32 to index
        %parallel_loop3A_164 = arith.index_cast %parallel_loop3A_162 : i32 to index
        %parallel_loop3A_165 = tpu.vector_load %arg7[%parallel_loop3A_163, %parallel_loop3A_164] {strides = array<i32>} : memref<128x128xf32, #tpu.memory_space<vmem>>, vector<16xf32>,
        %parallel_loop3A_166 = arith.constant 11 : i32
        %parallel_loop3A_167 = arith.addi %parallel_loop3A_88, %parallel_loop3A_166 : i32
        %parallel_loop3A_168 = arith.constant 16 : i32
        %parallel_loop3A_169 = arith.muli %parallel_loop3A_86, %parallel_loop3A_168 : i32
        %parallel_loop3A_170 = arith.index_cast %parallel_loop3A_167 : i32 to index
        %parallel_loop3A_171 = arith.index_cast %parallel_loop3A_169 : i32 to index
        %parallel_loop3A_172 = tpu.vector_load %arg7[%parallel_loop3A_170, %parallel_loop3A_171] {strides = array<i32>} : memref<128x128xf32, #tpu.memory_space<vmem>>, vector<16xf32>,
        %parallel_loop3A_173 = arith.constant 12 : i32
        %parallel_loop3A_174 = arith.addi %parallel_loop3A_88, %parallel_loop3A_173 : i32
        %parallel_loop3A_175 = arith.constant 16 : i32
        %parallel_loop3A_176 = arith.muli %parallel_loop3A_86, %parallel_loop3A_175 : i32
        %parallel_loop3A_177 = arith.index_cast %parallel_loop3A_174 : i32 to index
        %parallel_loop3A_178 = arith.index_cast %parallel_loop3A_176 : i32 to index
        %parallel_loop3A_179 = tpu.vector_load %arg7[%parallel_loop3A_177, %parallel_loop3A_178] {strides = array<i32>} : memref<128x128xf32, #tpu.memory_space<vmem>>, vector<16xf32>,
        %parallel_loop3A_180 = arith.constant 13 : i32
        %parallel_loop3A_181 = arith.addi %parallel_loop3A_88, %parallel_loop3A_180 : i32
        %parallel_loop3A_182 = arith.constant 16 : i32
        %parallel_loop3A_183 = arith.muli %parallel_loop3A_86, %parallel_loop3A_182 : i32
        %parallel_loop3A_184 = arith.index_cast %parallel_loop3A_181 : i32 to index
        %parallel_loop3A_185 = arith.index_cast %parallel_loop3A_183 : i32 to index
        %parallel_loop3A_186 = tpu.vector_load %arg7[%parallel_loop3A_184, %parallel_loop3A_185] {strides = array<i32>} : memref<128x128xf32, #tpu.memory_space<vmem>>, vector<16xf32>,
        %parallel_loop3A_187 = arith.constant 14 : i32
        %parallel_loop3A_188 = arith.addi %parallel_loop3A_88, %parallel_loop3A_187 : i32
        %parallel_loop3A_189 = arith.constant 16 : i32
        %parallel_loop3A_190 = arith.muli %parallel_loop3A_86, %parallel_loop3A_189 : i32
        %parallel_loop3A_191 = arith.index_cast %parallel_loop3A_188 : i32 to index
        %parallel_loop3A_192 = arith.index_cast %parallel_loop3A_190 : i32 to index
        %parallel_loop3A_193 = tpu.vector_load %arg7[%parallel_loop3A_191, %parallel_loop3A_192] {strides = array<i32>} : memref<128x128xf32, #tpu.memory_space<vmem>>, vector<16xf32>,
        %parallel_loop3A_194 = arith.constant 15 : i32
        %parallel_loop3A_195 = arith.addi %parallel_loop3A_88, %parallel_loop3A_194 : i32
        %parallel_loop3A_196 = arith.constant 16 : i32
        %parallel_loop3A_197 = arith.muli %parallel_loop3A_86, %parallel_loop3A_196 : i32
        %parallel_loop3A_198 = arith.index_cast %parallel_loop3A_195 : i32 to index
        %parallel_loop3A_199 = arith.index_cast %parallel_loop3A_197 : i32 to index
        %parallel_loop3A_200 = tpu.vector_load %arg7[%parallel_loop3A_198, %parallel_loop3A_199] {strides = array<i32>} : memref<128x128xf32, #tpu.memory_space<vmem>>, vector<16xf32>,
        %parallel_loop3A_201 = arith.constant 1 : i32
        %parallel_loop3A_202 = vector.broadcast %parallel_loop3A_201 : i32 to vector<16xi32>
        %parallel_loop3A_203 = arith.andi %iota3A, %parallel_loop3A_202 : vector<16xi32>
        %parallel_loop3A_204 = arith.constant 0 : i32
        %parallel_loop3A_205 = vector.broadcast %parallel_loop3A_204 : i32 to vector<16xi32>
        %parallel_loop3A_206 = arith.cmpi eq, %parallel_loop3A_203, %parallel_loop3A_205 : vector<16xi32>
        %parallel_loop3A_207 = arith.constant 1 : i32
        %parallel_loop3A_208 = vector.broadcast %parallel_loop3A_207 : i32 to vector<16xi32>
        %parallel_loop3A_209 = arith.xori %iota3A, %parallel_loop3A_208 : vector<16xi32>
        %parallel_loop3A_210 = vector.shape_cast %parallel_loop3A_209 : vector<16xi32> to vector<16x1xi32>
        %parallel_loop3A_211 = vector.shape_cast %parallel_loop3A_210 : vector<16x1xi32> to vector<16xi32>
        %parallel_loop3A_212 = tpu.dynamic_gather %parallel_loop3A_102[%parallel_loop3A_211] in [0] : vector<16xf32>, vector<16xi32> -> vector<16xf32>
        %parallel_loop3A_213 = arith.select %parallel_loop3A_206, %parallel_loop3A_95, %parallel_loop3A_212 : vector<16xi1>, vector<16xf32>
        %parallel_loop3A_214 = vector.shape_cast %parallel_loop3A_209 : vector<16xi32> to vector<16x1xi32>
        %parallel_loop3A_215 = vector.shape_cast %parallel_loop3A_214 : vector<16x1xi32> to vector<16xi32>
        %parallel_loop3A_216 = tpu.dynamic_gather %parallel_loop3A_95[%parallel_loop3A_215] in [0] : vector<16xf32>, vector<16xi32> -> vector<16xf32>
        %parallel_loop3A_217 = arith.select %parallel_loop3A_206, %parallel_loop3A_216, %parallel_loop3A_102 : vector<16xi1>, vector<16xf32>
        %parallel_loop3A_218 = vector.shape_cast %parallel_loop3A_209 : vector<16xi32> to vector<16x1xi32>
        %parallel_loop3A_219 = vector.shape_cast %parallel_loop3A_218 : vector<16x1xi32> to vector<16xi32>
        %parallel_loop3A_220 = tpu.dynamic_gather %parallel_loop3A_116[%parallel_loop3A_219] in [0] : vector<16xf32>, vector<16xi32> -> vector<16xf32>
        %parallel_loop3A_221 = arith.select %parallel_loop3A_206, %parallel_loop3A_109, %parallel_loop3A_220 : vector<16xi1>, vector<16xf32>
        %parallel_loop3A_222 = vector.shape_cast %parallel_loop3A_209 : vector<16xi32> to vector<16x1xi32>
        %parallel_loop3A_223 = vector.shape_cast %parallel_loop3A_222 : vector<16x1xi32> to vector<16xi32>
        %parallel_loop3A_224 = tpu.dynamic_gather %parallel_loop3A_109[%parallel_loop3A_223] in [0] : vector<16xf32>, vector<16xi32> -> vector<16xf32>
        %parallel_loop3A_225 = arith.select %parallel_loop3A_206, %parallel_loop3A_224, %parallel_loop3A_116 : vector<16xi1>, vector<16xf32>
        %parallel_loop3A_226 = vector.shape_cast %parallel_loop3A_209 : vector<16xi32> to vector<16x1xi32>
        %parallel_loop3A_227 = vector.shape_cast %parallel_loop3A_226 : vector<16x1xi32> to vector<16xi32>
        %parallel_loop3A_228 = tpu.dynamic_gather %parallel_loop3A_130[%parallel_loop3A_227] in [0] : vector<16xf32>, vector<16xi32> -> vector<16xf32>
        %parallel_loop3A_229 = arith.select %parallel_loop3A_206, %parallel_loop3A_123, %parallel_loop3A_228 : vector<16xi1>, vector<16xf32>
        %parallel_loop3A_230 = vector.shape_cast %parallel_loop3A_209 : vector<16xi32> to vector<16x1xi32>
        %parallel_loop3A_231 = vector.shape_cast %parallel_loop3A_230 : vector<16x1xi32> to vector<16xi32>
        %parallel_loop3A_232 = tpu.dynamic_gather %parallel_loop3A_123[%parallel_loop3A_231] in [0] : vector<16xf32>, vector<16xi32> -> vector<16xf32>
        %parallel_loop3A_233 = arith.select %parallel_loop3A_206, %parallel_loop3A_232, %parallel_loop3A_130 : vector<16xi1>, vector<16xf32>
        %parallel_loop3A_234 = vector.shape_cast %parallel_loop3A_209 : vector<16xi32> to vector<16x1xi32>
        %parallel_loop3A_235 = vector.shape_cast %parallel_loop3A_234 : vector<16x1xi32> to vector<16xi32>
        %parallel_loop3A_236 = tpu.dynamic_gather %parallel_loop3A_144[%parallel_loop3A_235] in [0] : vector<16xf32>, vector<16xi32> -> vector<16xf32>
        %parallel_loop3A_237 = arith.select %parallel_loop3A_206, %parallel_loop3A_137, %parallel_loop3A_236 : vector<16xi1>, vector<16xf32>
        %parallel_loop3A_238 = vector.shape_cast %parallel_loop3A_209 : vector<16xi32> to vector<16x1xi32>
        %parallel_loop3A_239 = vector.shape_cast %parallel_loop3A_238 : vector<16x1xi32> to vector<16xi32>
        %parallel_loop3A_240 = tpu.dynamic_gather %parallel_loop3A_137[%parallel_loop3A_239] in [0] : vector<16xf32>, vector<16xi32> -> vector<16xf32>
        %parallel_loop3A_241 = arith.select %parallel_loop3A_206, %parallel_loop3A_240, %parallel_loop3A_144 : vector<16xi1>, vector<16xf32>
        %parallel_loop3A_242 = vector.shape_cast %parallel_loop3A_209 : vector<16xi32> to vector<16x1xi32>
        %parallel_loop3A_243 = vector.shape_cast %parallel_loop3A_242 : vector<16x1xi32> to vector<16xi32>
        %parallel_loop3A_244 = tpu.dynamic_gather %parallel_loop3A_158[%parallel_loop3A_243] in [0] : vector<16xf32>, vector<16xi32> -> vector<16xf32>
        %parallel_loop3A_245 = arith.select %parallel_loop3A_206, %parallel_loop3A_151, %parallel_loop3A_244 : vector<16xi1>, vector<16xf32>
        %parallel_loop3A_246 = vector.shape_cast %parallel_loop3A_209 : vector<16xi32> to vector<16x1xi32>
        %parallel_loop3A_247 = vector.shape_cast %parallel_loop3A_246 : vector<16x1xi32> to vector<16xi32>
        %parallel_loop3A_248 = tpu.dynamic_gather %parallel_loop3A_151[%parallel_loop3A_247] in [0] : vector<16xf32>, vector<16xi32> -> vector<16xf32>
        %parallel_loop3A_249 = arith.select %parallel_loop3A_206, %parallel_loop3A_248, %parallel_loop3A_158 : vector<16xi1>, vector<16xf32>
        %parallel_loop3A_250 = vector.shape_cast %parallel_loop3A_209 : vector<16xi32> to vector<16x1xi32>
        %parallel_loop3A_251 = vector.shape_cast %parallel_loop3A_250 : vector<16x1xi32> to vector<16xi32>
        %parallel_loop3A_252 = tpu.dynamic_gather %parallel_loop3A_172[%parallel_loop3A_251] in [0] : vector<16xf32>, vector<16xi32> -> vector<16xf32>
        %parallel_loop3A_253 = arith.select %parallel_loop3A_206, %parallel_loop3A_165, %parallel_loop3A_252 : vector<16xi1>, vector<16xf32>
        %parallel_loop3A_254 = vector.shape_cast %parallel_loop3A_209 : vector<16xi32> to vector<16x1xi32>
        %parallel_loop3A_255 = vector.shape_cast %parallel_loop3A_254 : vector<16x1xi32> to vector<16xi32>
        %parallel_loop3A_256 = tpu.dynamic_gather %parallel_loop3A_165[%parallel_loop3A_255] in [0] : vector<16xf32>, vector<16xi32> -> vector<16xf32>
        %parallel_loop3A_257 = arith.select %parallel_loop3A_206, %parallel_loop3A_256, %parallel_loop3A_172 : vector<16xi1>, vector<16xf32>
        %parallel_loop3A_258 = vector.shape_cast %parallel_loop3A_209 : vector<16xi32> to vector<16x1xi32>
        %parallel_loop3A_259 = vector.shape_cast %parallel_loop3A_258 : vector<16x1xi32> to vector<16xi32>
        %parallel_loop3A_260 = tpu.dynamic_gather %parallel_loop3A_186[%parallel_loop3A_259] in [0] : vector<16xf32>, vector<16xi32> -> vector<16xf32>
        %parallel_loop3A_261 = arith.select %parallel_loop3A_206, %parallel_loop3A_179, %parallel_loop3A_260 : vector<16xi1>, vector<16xf32>
        %parallel_loop3A_262 = vector.shape_cast %parallel_loop3A_209 : vector<16xi32> to vector<16x1xi32>
        %parallel_loop3A_263 = vector.shape_cast %parallel_loop3A_262 : vector<16x1xi32> to vector<16xi32>
        %parallel_loop3A_264 = tpu.dynamic_gather %parallel_loop3A_179[%parallel_loop3A_263] in [0] : vector<16xf32>, vector<16xi32> -> vector<16xf32>
        %parallel_loop3A_265 = arith.select %parallel_loop3A_206, %parallel_loop3A_264, %parallel_loop3A_186 : vector<16xi1>, vector<16xf32>
        %parallel_loop3A_266 = vector.shape_cast %parallel_loop3A_209 : vector<16xi32> to vector<16x1xi32>
        %parallel_loop3A_267 = vector.shape_cast %parallel_loop3A_266 : vector<16x1xi32> to vector<16xi32>
        %parallel_loop3A_268 = tpu.dynamic_gather %parallel_loop3A_200[%parallel_loop3A_267] in [0] : vector<16xf32>, vector<16xi32> -> vector<16xf32>
        %parallel_loop3A_269 = arith.select %parallel_loop3A_206, %parallel_loop3A_193, %parallel_loop3A_268 : vector<16xi1>, vector<16xf32>
        %parallel_loop3A_270 = vector.shape_cast %parallel_loop3A_209 : vector<16xi32> to vector<16x1xi32>
        %parallel_loop3A_271 = vector.shape_cast %parallel_loop3A_270 : vector<16x1xi32> to vector<16xi32>
        %parallel_loop3A_272 = tpu.dynamic_gather %parallel_loop3A_193[%parallel_loop3A_271] in [0] : vector<16xf32>, vector<16xi32> -> vector<16xf32>
        %parallel_loop3A_273 = arith.select %parallel_loop3A_206, %parallel_loop3A_272, %parallel_loop3A_200 : vector<16xi1>, vector<16xf32>
        %parallel_loop3A_274 = arith.constant 2 : i32
        %parallel_loop3A_275 = vector.broadcast %parallel_loop3A_274 : i32 to vector<16xi32>
        %parallel_loop3A_276 = arith.andi %iota3A, %parallel_loop3A_275 : vector<16xi32>
        %parallel_loop3A_277 = arith.constant 0 : i32
        %parallel_loop3A_278 = vector.broadcast %parallel_loop3A_277 : i32 to vector<16xi32>
        %parallel_loop3A_279 = arith.cmpi eq, %parallel_loop3A_276, %parallel_loop3A_278 : vector<16xi32>
        %parallel_loop3A_280 = arith.constant 2 : i32
        %parallel_loop3A_281 = vector.broadcast %parallel_loop3A_280 : i32 to vector<16xi32>
        %parallel_loop3A_282 = arith.xori %iota3A, %parallel_loop3A_281 : vector<16xi32>
        %parallel_loop3A_283 = vector.shape_cast %parallel_loop3A_282 : vector<16xi32> to vector<16x1xi32>
        %parallel_loop3A_284 = vector.shape_cast %parallel_loop3A_283 : vector<16x1xi32> to vector<16xi32>
        %parallel_loop3A_285 = tpu.dynamic_gather %parallel_loop3A_221[%parallel_loop3A_284] in [0] : vector<16xf32>, vector<16xi32> -> vector<16xf32>
        %parallel_loop3A_286 = arith.select %parallel_loop3A_279, %parallel_loop3A_213, %parallel_loop3A_285 : vector<16xi1>, vector<16xf32>
        %parallel_loop3A_287 = vector.shape_cast %parallel_loop3A_282 : vector<16xi32> to vector<16x1xi32>
        %parallel_loop3A_288 = vector.shape_cast %parallel_loop3A_287 : vector<16x1xi32> to vector<16xi32>
        %parallel_loop3A_289 = tpu.dynamic_gather %parallel_loop3A_213[%parallel_loop3A_288] in [0] : vector<16xf32>, vector<16xi32> -> vector<16xf32>
        %parallel_loop3A_290 = arith.select %parallel_loop3A_279, %parallel_loop3A_289, %parallel_loop3A_221 : vector<16xi1>, vector<16xf32>
        %parallel_loop3A_291 = vector.shape_cast %parallel_loop3A_282 : vector<16xi32> to vector<16x1xi32>
        %parallel_loop3A_292 = vector.shape_cast %parallel_loop3A_291 : vector<16x1xi32> to vector<16xi32>
        %parallel_loop3A_293 = tpu.dynamic_gather %parallel_loop3A_225[%parallel_loop3A_292] in [0] : vector<16xf32>, vector<16xi32> -> vector<16xf32>
        %parallel_loop3A_294 = arith.select %parallel_loop3A_279, %parallel_loop3A_217, %parallel_loop3A_293 : vector<16xi1>, vector<16xf32>
        %parallel_loop3A_295 = vector.shape_cast %parallel_loop3A_282 : vector<16xi32> to vector<16x1xi32>
        %parallel_loop3A_296 = vector.shape_cast %parallel_loop3A_295 : vector<16x1xi32> to vector<16xi32>
        %parallel_loop3A_297 = tpu.dynamic_gather %parallel_loop3A_217[%parallel_loop3A_296] in [0] : vector<16xf32>, vector<16xi32> -> vector<16xf32>
        %parallel_loop3A_298 = arith.select %parallel_loop3A_279, %parallel_loop3A_297, %parallel_loop3A_225 : vector<16xi1>, vector<16xf32>
        %parallel_loop3A_299 = vector.shape_cast %parallel_loop3A_282 : vector<16xi32> to vector<16x1xi32>
        %parallel_loop3A_300 = vector.shape_cast %parallel_loop3A_299 : vector<16x1xi32> to vector<16xi32>
        %parallel_loop3A_301 = tpu.dynamic_gather %parallel_loop3A_237[%parallel_loop3A_300] in [0] : vector<16xf32>, vector<16xi32> -> vector<16xf32>
        %parallel_loop3A_302 = arith.select %parallel_loop3A_279, %parallel_loop3A_229, %parallel_loop3A_301 : vector<16xi1>, vector<16xf32>
        %parallel_loop3A_303 = vector.shape_cast %parallel_loop3A_282 : vector<16xi32> to vector<16x1xi32>
        %parallel_loop3A_304 = vector.shape_cast %parallel_loop3A_303 : vector<16x1xi32> to vector<16xi32>
        %parallel_loop3A_305 = tpu.dynamic_gather %parallel_loop3A_229[%parallel_loop3A_304] in [0] : vector<16xf32>, vector<16xi32> -> vector<16xf32>
        %parallel_loop3A_306 = arith.select %parallel_loop3A_279, %parallel_loop3A_305, %parallel_loop3A_237 : vector<16xi1>, vector<16xf32>
        %parallel_loop3A_307 = vector.shape_cast %parallel_loop3A_282 : vector<16xi32> to vector<16x1xi32>
        %parallel_loop3A_308 = vector.shape_cast %parallel_loop3A_307 : vector<16x1xi32> to vector<16xi32>
        %parallel_loop3A_309 = tpu.dynamic_gather %parallel_loop3A_241[%parallel_loop3A_308] in [0] : vector<16xf32>, vector<16xi32> -> vector<16xf32>
        %parallel_loop3A_310 = arith.select %parallel_loop3A_279, %parallel_loop3A_233, %parallel_loop3A_309 : vector<16xi1>, vector<16xf32>
        %parallel_loop3A_311 = vector.shape_cast %parallel_loop3A_282 : vector<16xi32> to vector<16x1xi32>
        %parallel_loop3A_312 = vector.shape_cast %parallel_loop3A_311 : vector<16x1xi32> to vector<16xi32>
        %parallel_loop3A_313 = tpu.dynamic_gather %parallel_loop3A_233[%parallel_loop3A_312] in [0] : vector<16xf32>, vector<16xi32> -> vector<16xf32>
        %parallel_loop3A_314 = arith.select %parallel_loop3A_279, %parallel_loop3A_313, %parallel_loop3A_241 : vector<16xi1>, vector<16xf32>
        %parallel_loop3A_315 = vector.shape_cast %parallel_loop3A_282 : vector<16xi32> to vector<16x1xi32>
        %parallel_loop3A_316 = vector.shape_cast %parallel_loop3A_315 : vector<16x1xi32> to vector<16xi32>
        %parallel_loop3A_317 = tpu.dynamic_gather %parallel_loop3A_253[%parallel_loop3A_316] in [0] : vector<16xf32>, vector<16xi32> -> vector<16xf32>
        %parallel_loop3A_318 = arith.select %parallel_loop3A_279, %parallel_loop3A_245, %parallel_loop3A_317 : vector<16xi1>, vector<16xf32>
        %parallel_loop3A_319 = vector.shape_cast %parallel_loop3A_282 : vector<16xi32> to vector<16x1xi32>
        %parallel_loop3A_320 = vector.shape_cast %parallel_loop3A_319 : vector<16x1xi32> to vector<16xi32>
        %parallel_loop3A_321 = tpu.dynamic_gather %parallel_loop3A_245[%parallel_loop3A_320] in [0] : vector<16xf32>, vector<16xi32> -> vector<16xf32>
        %parallel_loop3A_322 = arith.select %parallel_loop3A_279, %parallel_loop3A_321, %parallel_loop3A_253 : vector<16xi1>, vector<16xf32>
        %parallel_loop3A_323 = vector.shape_cast %parallel_loop3A_282 : vector<16xi32> to vector<16x1xi32>
        %parallel_loop3A_324 = vector.shape_cast %parallel_loop3A_323 : vector<16x1xi32> to vector<16xi32>
        %parallel_loop3A_325 = tpu.dynamic_gather %parallel_loop3A_257[%parallel_loop3A_324] in [0] : vector<16xf32>, vector<16xi32> -> vector<16xf32>
        %parallel_loop3A_326 = arith.select %parallel_loop3A_279, %parallel_loop3A_249, %parallel_loop3A_325 : vector<16xi1>, vector<16xf32>
        %parallel_loop3A_327 = vector.shape_cast %parallel_loop3A_282 : vector<16xi32> to vector<16x1xi32>
        %parallel_loop3A_328 = vector.shape_cast %parallel_loop3A_327 : vector<16x1xi32> to vector<16xi32>
        %parallel_loop3A_329 = tpu.dynamic_gather %parallel_loop3A_249[%parallel_loop3A_328] in [0] : vector<16xf32>, vector<16xi32> -> vector<16xf32>
        %parallel_loop3A_330 = arith.select %parallel_loop3A_279, %parallel_loop3A_329, %parallel_loop3A_257 : vector<16xi1>, vector<16xf32>
        %parallel_loop3A_331 = vector.shape_cast %parallel_loop3A_282 : vector<16xi32> to vector<16x1xi32>
        %parallel_loop3A_332 = vector.shape_cast %parallel_loop3A_331 : vector<16x1xi32> to vector<16xi32>
        %parallel_loop3A_333 = tpu.dynamic_gather %parallel_loop3A_269[%parallel_loop3A_332] in [0] : vector<16xf32>, vector<16xi32> -> vector<16xf32>
        %parallel_loop3A_334 = arith.select %parallel_loop3A_279, %parallel_loop3A_261, %parallel_loop3A_333 : vector<16xi1>, vector<16xf32>
        %parallel_loop3A_335 = vector.shape_cast %parallel_loop3A_282 : vector<16xi32> to vector<16x1xi32>
        %parallel_loop3A_336 = vector.shape_cast %parallel_loop3A_335 : vector<16x1xi32> to vector<16xi32>
        %parallel_loop3A_337 = tpu.dynamic_gather %parallel_loop3A_261[%parallel_loop3A_336] in [0] : vector<16xf32>, vector<16xi32> -> vector<16xf32>
        %parallel_loop3A_338 = arith.select %parallel_loop3A_279, %parallel_loop3A_337, %parallel_loop3A_269 : vector<16xi1>, vector<16xf32>
        %parallel_loop3A_339 = vector.shape_cast %parallel_loop3A_282 : vector<16xi32> to vector<16x1xi32>
        %parallel_loop3A_340 = vector.shape_cast %parallel_loop3A_339 : vector<16x1xi32> to vector<16xi32>
        %parallel_loop3A_341 = tpu.dynamic_gather %parallel_loop3A_273[%parallel_loop3A_340] in [0] : vector<16xf32>, vector<16xi32> -> vector<16xf32>
        %parallel_loop3A_342 = arith.select %parallel_loop3A_279, %parallel_loop3A_265, %parallel_loop3A_341 : vector<16xi1>, vector<16xf32>
        %parallel_loop3A_343 = vector.shape_cast %parallel_loop3A_282 : vector<16xi32> to vector<16x1xi32>
        %parallel_loop3A_344 = vector.shape_cast %parallel_loop3A_343 : vector<16x1xi32> to vector<16xi32>
        %parallel_loop3A_345 = tpu.dynamic_gather %parallel_loop3A_265[%parallel_loop3A_344] in [0] : vector<16xf32>, vector<16xi32> -> vector<16xf32>
        %parallel_loop3A_346 = arith.select %parallel_loop3A_279, %parallel_loop3A_345, %parallel_loop3A_273 : vector<16xi1>, vector<16xf32>
        %parallel_loop3A_347 = arith.constant 4 : i32
        %parallel_loop3A_348 = vector.broadcast %parallel_loop3A_347 : i32 to vector<16xi32>
        %parallel_loop3A_349 = arith.andi %iota3A, %parallel_loop3A_348 : vector<16xi32>
        %parallel_loop3A_350 = arith.constant 0 : i32
        %parallel_loop3A_351 = vector.broadcast %parallel_loop3A_350 : i32 to vector<16xi32>
        %parallel_loop3A_352 = arith.cmpi eq, %parallel_loop3A_349, %parallel_loop3A_351 : vector<16xi32>
        %parallel_loop3A_353 = arith.constant 4 : i32
        %parallel_loop3A_354 = vector.broadcast %parallel_loop3A_353 : i32 to vector<16xi32>
        %parallel_loop3A_355 = arith.xori %iota3A, %parallel_loop3A_354 : vector<16xi32>
        %parallel_loop3A_356 = vector.shape_cast %parallel_loop3A_355 : vector<16xi32> to vector<16x1xi32>
        %parallel_loop3A_357 = vector.shape_cast %parallel_loop3A_356 : vector<16x1xi32> to vector<16xi32>
        %parallel_loop3A_358 = tpu.dynamic_gather %parallel_loop3A_302[%parallel_loop3A_357] in [0] : vector<16xf32>, vector<16xi32> -> vector<16xf32>
        %parallel_loop3A_359 = arith.select %parallel_loop3A_352, %parallel_loop3A_286, %parallel_loop3A_358 : vector<16xi1>, vector<16xf32>
        %parallel_loop3A_360 = vector.shape_cast %parallel_loop3A_355 : vector<16xi32> to vector<16x1xi32>
        %parallel_loop3A_361 = vector.shape_cast %parallel_loop3A_360 : vector<16x1xi32> to vector<16xi32>
        %parallel_loop3A_362 = tpu.dynamic_gather %parallel_loop3A_286[%parallel_loop3A_361] in [0] : vector<16xf32>, vector<16xi32> -> vector<16xf32>
        %parallel_loop3A_363 = arith.select %parallel_loop3A_352, %parallel_loop3A_362, %parallel_loop3A_302 : vector<16xi1>, vector<16xf32>
        %parallel_loop3A_364 = vector.shape_cast %parallel_loop3A_355 : vector<16xi32> to vector<16x1xi32>
        %parallel_loop3A_365 = vector.shape_cast %parallel_loop3A_364 : vector<16x1xi32> to vector<16xi32>
        %parallel_loop3A_366 = tpu.dynamic_gather %parallel_loop3A_310[%parallel_loop3A_365] in [0] : vector<16xf32>, vector<16xi32> -> vector<16xf32>
        %parallel_loop3A_367 = arith.select %parallel_loop3A_352, %parallel_loop3A_294, %parallel_loop3A_366 : vector<16xi1>, vector<16xf32>
        %parallel_loop3A_368 = vector.shape_cast %parallel_loop3A_355 : vector<16xi32> to vector<16x1xi32>
        %parallel_loop3A_369 = vector.shape_cast %parallel_loop3A_368 : vector<16x1xi32> to vector<16xi32>
        %parallel_loop3A_370 = tpu.dynamic_gather %parallel_loop3A_294[%parallel_loop3A_369] in [0] : vector<16xf32>, vector<16xi32> -> vector<16xf32>
        %parallel_loop3A_371 = arith.select %parallel_loop3A_352, %parallel_loop3A_370, %parallel_loop3A_310 : vector<16xi1>, vector<16xf32>
        %parallel_loop3A_372 = vector.shape_cast %parallel_loop3A_355 : vector<16xi32> to vector<16x1xi32>
        %parallel_loop3A_373 = vector.shape_cast %parallel_loop3A_372 : vector<16x1xi32> to vector<16xi32>
        %parallel_loop3A_374 = tpu.dynamic_gather %parallel_loop3A_306[%parallel_loop3A_373] in [0] : vector<16xf32>, vector<16xi32> -> vector<16xf32>
        %parallel_loop3A_375 = arith.select %parallel_loop3A_352, %parallel_loop3A_290, %parallel_loop3A_374 : vector<16xi1>, vector<16xf32>
        %parallel_loop3A_376 = vector.shape_cast %parallel_loop3A_355 : vector<16xi32> to vector<16x1xi32>
        %parallel_loop3A_377 = vector.shape_cast %parallel_loop3A_376 : vector<16x1xi32> to vector<16xi32>
        %parallel_loop3A_378 = tpu.dynamic_gather %parallel_loop3A_290[%parallel_loop3A_377] in [0] : vector<16xf32>, vector<16xi32> -> vector<16xf32>
        %parallel_loop3A_379 = arith.select %parallel_loop3A_352, %parallel_loop3A_378, %parallel_loop3A_306 : vector<16xi1>, vector<16xf32>
        %parallel_loop3A_380 = vector.shape_cast %parallel_loop3A_355 : vector<16xi32> to vector<16x1xi32>
        %parallel_loop3A_381 = vector.shape_cast %parallel_loop3A_380 : vector<16x1xi32> to vector<16xi32>
        %parallel_loop3A_382 = tpu.dynamic_gather %parallel_loop3A_314[%parallel_loop3A_381] in [0] : vector<16xf32>, vector<16xi32> -> vector<16xf32>
        %parallel_loop3A_383 = arith.select %parallel_loop3A_352, %parallel_loop3A_298, %parallel_loop3A_382 : vector<16xi1>, vector<16xf32>
        %parallel_loop3A_384 = vector.shape_cast %parallel_loop3A_355 : vector<16xi32> to vector<16x1xi32>
        %parallel_loop3A_385 = vector.shape_cast %parallel_loop3A_384 : vector<16x1xi32> to vector<16xi32>
        %parallel_loop3A_386 = tpu.dynamic_gather %parallel_loop3A_298[%parallel_loop3A_385] in [0] : vector<16xf32>, vector<16xi32> -> vector<16xf32>
        %parallel_loop3A_387 = arith.select %parallel_loop3A_352, %parallel_loop3A_386, %parallel_loop3A_314 : vector<16xi1>, vector<16xf32>
        %parallel_loop3A_388 = vector.shape_cast %parallel_loop3A_355 : vector<16xi32> to vector<16x1xi32>
        %parallel_loop3A_389 = vector.shape_cast %parallel_loop3A_388 : vector<16x1xi32> to vector<16xi32>
        %parallel_loop3A_390 = tpu.dynamic_gather %parallel_loop3A_334[%parallel_loop3A_389] in [0] : vector<16xf32>, vector<16xi32> -> vector<16xf32>
        %parallel_loop3A_391 = arith.select %parallel_loop3A_352, %parallel_loop3A_318, %parallel_loop3A_390 : vector<16xi1>, vector<16xf32>
        %parallel_loop3A_392 = vector.shape_cast %parallel_loop3A_355 : vector<16xi32> to vector<16x1xi32>
        %parallel_loop3A_393 = vector.shape_cast %parallel_loop3A_392 : vector<16x1xi32> to vector<16xi32>
        %parallel_loop3A_394 = tpu.dynamic_gather %parallel_loop3A_318[%parallel_loop3A_393] in [0] : vector<16xf32>, vector<16xi32> -> vector<16xf32>
        %parallel_loop3A_395 = arith.select %parallel_loop3A_352, %parallel_loop3A_394, %parallel_loop3A_334 : vector<16xi1>, vector<16xf32>
        %parallel_loop3A_396 = vector.shape_cast %parallel_loop3A_355 : vector<16xi32> to vector<16x1xi32>
        %parallel_loop3A_397 = vector.shape_cast %parallel_loop3A_396 : vector<16x1xi32> to vector<16xi32>
        %parallel_loop3A_398 = tpu.dynamic_gather %parallel_loop3A_342[%parallel_loop3A_397] in [0] : vector<16xf32>, vector<16xi32> -> vector<16xf32>
        %parallel_loop3A_399 = arith.select %parallel_loop3A_352, %parallel_loop3A_326, %parallel_loop3A_398 : vector<16xi1>, vector<16xf32>
        %parallel_loop3A_400 = vector.shape_cast %parallel_loop3A_355 : vector<16xi32> to vector<16x1xi32>
        %parallel_loop3A_401 = vector.shape_cast %parallel_loop3A_400 : vector<16x1xi32> to vector<16xi32>
        %parallel_loop3A_402 = tpu.dynamic_gather %parallel_loop3A_326[%parallel_loop3A_401] in [0] : vector<16xf32>, vector<16xi32> -> vector<16xf32>
        %parallel_loop3A_403 = arith.select %parallel_loop3A_352, %parallel_loop3A_402, %parallel_loop3A_342 : vector<16xi1>, vector<16xf32>
        %parallel_loop3A_404 = vector.shape_cast %parallel_loop3A_355 : vector<16xi32> to vector<16x1xi32>
        %parallel_loop3A_405 = vector.shape_cast %parallel_loop3A_404 : vector<16x1xi32> to vector<16xi32>
        %parallel_loop3A_406 = tpu.dynamic_gather %parallel_loop3A_338[%parallel_loop3A_405] in [0] : vector<16xf32>, vector<16xi32> -> vector<16xf32>
        %parallel_loop3A_407 = arith.select %parallel_loop3A_352, %parallel_loop3A_322, %parallel_loop3A_406 : vector<16xi1>, vector<16xf32>
        %parallel_loop3A_408 = vector.shape_cast %parallel_loop3A_355 : vector<16xi32> to vector<16x1xi32>
        %parallel_loop3A_409 = vector.shape_cast %parallel_loop3A_408 : vector<16x1xi32> to vector<16xi32>
        %parallel_loop3A_410 = tpu.dynamic_gather %parallel_loop3A_322[%parallel_loop3A_409] in [0] : vector<16xf32>, vector<16xi32> -> vector<16xf32>
        %parallel_loop3A_411 = arith.select %parallel_loop3A_352, %parallel_loop3A_410, %parallel_loop3A_338 : vector<16xi1>, vector<16xf32>
        %parallel_loop3A_412 = vector.shape_cast %parallel_loop3A_355 : vector<16xi32> to vector<16x1xi32>
        %parallel_loop3A_413 = vector.shape_cast %parallel_loop3A_412 : vector<16x1xi32> to vector<16xi32>
        %parallel_loop3A_414 = tpu.dynamic_gather %parallel_loop3A_346[%parallel_loop3A_413] in [0] : vector<16xf32>, vector<16xi32> -> vector<16xf32>
        %parallel_loop3A_415 = arith.select %parallel_loop3A_352, %parallel_loop3A_330, %parallel_loop3A_414 : vector<16xi1>, vector<16xf32>
        %parallel_loop3A_416 = vector.shape_cast %parallel_loop3A_355 : vector<16xi32> to vector<16x1xi32>
        %parallel_loop3A_417 = vector.shape_cast %parallel_loop3A_416 : vector<16x1xi32> to vector<16xi32>
        %parallel_loop3A_418 = tpu.dynamic_gather %parallel_loop3A_330[%parallel_loop3A_417] in [0] : vector<16xf32>, vector<16xi32> -> vector<16xf32>
        %parallel_loop3A_419 = arith.select %parallel_loop3A_352, %parallel_loop3A_418, %parallel_loop3A_346 : vector<16xi1>, vector<16xf32>
        %parallel_loop3A_420 = arith.constant 8 : i32
        %parallel_loop3A_421 = vector.broadcast %parallel_loop3A_420 : i32 to vector<16xi32>
        %parallel_loop3A_422 = arith.andi %iota3A, %parallel_loop3A_421 : vector<16xi32>
        %parallel_loop3A_423 = arith.constant 0 : i32
        %parallel_loop3A_424 = vector.broadcast %parallel_loop3A_423 : i32 to vector<16xi32>
        %parallel_loop3A_425 = arith.cmpi eq, %parallel_loop3A_422, %parallel_loop3A_424 : vector<16xi32>
        %parallel_loop3A_426 = arith.constant 8 : i32
        %parallel_loop3A_427 = vector.broadcast %parallel_loop3A_426 : i32 to vector<16xi32>
        %parallel_loop3A_428 = arith.xori %iota3A, %parallel_loop3A_427 : vector<16xi32>
        %parallel_loop3A_429 = vector.shape_cast %parallel_loop3A_428 : vector<16xi32> to vector<16x1xi32>
        %parallel_loop3A_430 = vector.shape_cast %parallel_loop3A_429 : vector<16x1xi32> to vector<16xi32>
        %parallel_loop3A_431 = tpu.dynamic_gather %parallel_loop3A_391[%parallel_loop3A_430] in [0] : vector<16xf32>, vector<16xi32> -> vector<16xf32>
        %parallel_loop3A_432 = arith.select %parallel_loop3A_425, %parallel_loop3A_359, %parallel_loop3A_431 : vector<16xi1>, vector<16xf32>
        %parallel_loop3A_433 = vector.shape_cast %parallel_loop3A_428 : vector<16xi32> to vector<16x1xi32>
        %parallel_loop3A_434 = vector.shape_cast %parallel_loop3A_433 : vector<16x1xi32> to vector<16xi32>
        %parallel_loop3A_435 = tpu.dynamic_gather %parallel_loop3A_359[%parallel_loop3A_434] in [0] : vector<16xf32>, vector<16xi32> -> vector<16xf32>
        %parallel_loop3A_436 = arith.select %parallel_loop3A_425, %parallel_loop3A_435, %parallel_loop3A_391 : vector<16xi1>, vector<16xf32>
        %parallel_loop3A_437 = vector.shape_cast %parallel_loop3A_428 : vector<16xi32> to vector<16x1xi32>
        %parallel_loop3A_438 = vector.shape_cast %parallel_loop3A_437 : vector<16x1xi32> to vector<16xi32>
        %parallel_loop3A_439 = tpu.dynamic_gather %parallel_loop3A_399[%parallel_loop3A_438] in [0] : vector<16xf32>, vector<16xi32> -> vector<16xf32>
        %parallel_loop3A_440 = arith.select %parallel_loop3A_425, %parallel_loop3A_367, %parallel_loop3A_439 : vector<16xi1>, vector<16xf32>
        %parallel_loop3A_441 = vector.shape_cast %parallel_loop3A_428 : vector<16xi32> to vector<16x1xi32>
        %parallel_loop3A_442 = vector.shape_cast %parallel_loop3A_441 : vector<16x1xi32> to vector<16xi32>
        %parallel_loop3A_443 = tpu.dynamic_gather %parallel_loop3A_367[%parallel_loop3A_442] in [0] : vector<16xf32>, vector<16xi32> -> vector<16xf32>
        %parallel_loop3A_444 = arith.select %parallel_loop3A_425, %parallel_loop3A_443, %parallel_loop3A_399 : vector<16xi1>, vector<16xf32>
        %parallel_loop3A_445 = vector.shape_cast %parallel_loop3A_428 : vector<16xi32> to vector<16x1xi32>
        %parallel_loop3A_446 = vector.shape_cast %parallel_loop3A_445 : vector<16x1xi32> to vector<16xi32>
        %parallel_loop3A_447 = tpu.dynamic_gather %parallel_loop3A_407[%parallel_loop3A_446] in [0] : vector<16xf32>, vector<16xi32> -> vector<16xf32>
        %parallel_loop3A_448 = arith.select %parallel_loop3A_425, %parallel_loop3A_375, %parallel_loop3A_447 : vector<16xi1>, vector<16xf32>
        %parallel_loop3A_449 = vector.shape_cast %parallel_loop3A_428 : vector<16xi32> to vector<16x1xi32>
        %parallel_loop3A_450 = vector.shape_cast %parallel_loop3A_449 : vector<16x1xi32> to vector<16xi32>
        %parallel_loop3A_451 = tpu.dynamic_gather %parallel_loop3A_375[%parallel_loop3A_450] in [0] : vector<16xf32>, vector<16xi32> -> vector<16xf32>
        %parallel_loop3A_452 = arith.select %parallel_loop3A_425, %parallel_loop3A_451, %parallel_loop3A_407 : vector<16xi1>, vector<16xf32>
        %parallel_loop3A_453 = vector.shape_cast %parallel_loop3A_428 : vector<16xi32> to vector<16x1xi32>
        %parallel_loop3A_454 = vector.shape_cast %parallel_loop3A_453 : vector<16x1xi32> to vector<16xi32>
        %parallel_loop3A_455 = tpu.dynamic_gather %parallel_loop3A_415[%parallel_loop3A_454] in [0] : vector<16xf32>, vector<16xi32> -> vector<16xf32>
        %parallel_loop3A_456 = arith.select %parallel_loop3A_425, %parallel_loop3A_383, %parallel_loop3A_455 : vector<16xi1>, vector<16xf32>
        %parallel_loop3A_457 = vector.shape_cast %parallel_loop3A_428 : vector<16xi32> to vector<16x1xi32>
        %parallel_loop3A_458 = vector.shape_cast %parallel_loop3A_457 : vector<16x1xi32> to vector<16xi32>
        %parallel_loop3A_459 = tpu.dynamic_gather %parallel_loop3A_383[%parallel_loop3A_458] in [0] : vector<16xf32>, vector<16xi32> -> vector<16xf32>
        %parallel_loop3A_460 = arith.select %parallel_loop3A_425, %parallel_loop3A_459, %parallel_loop3A_415 : vector<16xi1>, vector<16xf32>
        %parallel_loop3A_461 = vector.shape_cast %parallel_loop3A_428 : vector<16xi32> to vector<16x1xi32>
        %parallel_loop3A_462 = vector.shape_cast %parallel_loop3A_461 : vector<16x1xi32> to vector<16xi32>
        %parallel_loop3A_463 = tpu.dynamic_gather %parallel_loop3A_395[%parallel_loop3A_462] in [0] : vector<16xf32>, vector<16xi32> -> vector<16xf32>
        %parallel_loop3A_464 = arith.select %parallel_loop3A_425, %parallel_loop3A_363, %parallel_loop3A_463 : vector<16xi1>, vector<16xf32>
        %parallel_loop3A_465 = vector.shape_cast %parallel_loop3A_428 : vector<16xi32> to vector<16x1xi32>
        %parallel_loop3A_466 = vector.shape_cast %parallel_loop3A_465 : vector<16x1xi32> to vector<16xi32>
        %parallel_loop3A_467 = tpu.dynamic_gather %parallel_loop3A_363[%parallel_loop3A_466] in [0] : vector<16xf32>, vector<16xi32> -> vector<16xf32>
        %parallel_loop3A_468 = arith.select %parallel_loop3A_425, %parallel_loop3A_467, %parallel_loop3A_395 : vector<16xi1>, vector<16xf32>
        %parallel_loop3A_469 = vector.shape_cast %parallel_loop3A_428 : vector<16xi32> to vector<16x1xi32>
        %parallel_loop3A_470 = vector.shape_cast %parallel_loop3A_469 : vector<16x1xi32> to vector<16xi32>
        %parallel_loop3A_471 = tpu.dynamic_gather %parallel_loop3A_403[%parallel_loop3A_470] in [0] : vector<16xf32>, vector<16xi32> -> vector<16xf32>
        %parallel_loop3A_472 = arith.select %parallel_loop3A_425, %parallel_loop3A_371, %parallel_loop3A_471 : vector<16xi1>, vector<16xf32>
        %parallel_loop3A_473 = vector.shape_cast %parallel_loop3A_428 : vector<16xi32> to vector<16x1xi32>
        %parallel_loop3A_474 = vector.shape_cast %parallel_loop3A_473 : vector<16x1xi32> to vector<16xi32>
        %parallel_loop3A_475 = tpu.dynamic_gather %parallel_loop3A_371[%parallel_loop3A_474] in [0] : vector<16xf32>, vector<16xi32> -> vector<16xf32>
        %parallel_loop3A_476 = arith.select %parallel_loop3A_425, %parallel_loop3A_475, %parallel_loop3A_403 : vector<16xi1>, vector<16xf32>
        %parallel_loop3A_477 = vector.shape_cast %parallel_loop3A_428 : vector<16xi32> to vector<16x1xi32>
        %parallel_loop3A_478 = vector.shape_cast %parallel_loop3A_477 : vector<16x1xi32> to vector<16xi32>
        %parallel_loop3A_479 = tpu.dynamic_gather %parallel_loop3A_411[%parallel_loop3A_478] in [0] : vector<16xf32>, vector<16xi32> -> vector<16xf32>
        %parallel_loop3A_480 = arith.select %parallel_loop3A_425, %parallel_loop3A_379, %parallel_loop3A_479 : vector<16xi1>, vector<16xf32>
        %parallel_loop3A_481 = vector.shape_cast %parallel_loop3A_428 : vector<16xi32> to vector<16x1xi32>
        %parallel_loop3A_482 = vector.shape_cast %parallel_loop3A_481 : vector<16x1xi32> to vector<16xi32>
        %parallel_loop3A_483 = tpu.dynamic_gather %parallel_loop3A_379[%parallel_loop3A_482] in [0] : vector<16xf32>, vector<16xi32> -> vector<16xf32>
        %parallel_loop3A_484 = arith.select %parallel_loop3A_425, %parallel_loop3A_483, %parallel_loop3A_411 : vector<16xi1>, vector<16xf32>
        %parallel_loop3A_485 = vector.shape_cast %parallel_loop3A_428 : vector<16xi32> to vector<16x1xi32>
        %parallel_loop3A_486 = vector.shape_cast %parallel_loop3A_485 : vector<16x1xi32> to vector<16xi32>
        %parallel_loop3A_487 = tpu.dynamic_gather %parallel_loop3A_419[%parallel_loop3A_486] in [0] : vector<16xf32>, vector<16xi32> -> vector<16xf32>
        %parallel_loop3A_488 = arith.select %parallel_loop3A_425, %parallel_loop3A_387, %parallel_loop3A_487 : vector<16xi1>, vector<16xf32>
        %parallel_loop3A_489 = vector.shape_cast %parallel_loop3A_428 : vector<16xi32> to vector<16x1xi32>
        %parallel_loop3A_490 = vector.shape_cast %parallel_loop3A_489 : vector<16x1xi32> to vector<16xi32>
        %parallel_loop3A_491 = tpu.dynamic_gather %parallel_loop3A_387[%parallel_loop3A_490] in [0] : vector<16xf32>, vector<16xi32> -> vector<16xf32>
        %parallel_loop3A_492 = arith.select %parallel_loop3A_425, %parallel_loop3A_491, %parallel_loop3A_419 : vector<16xi1>, vector<16xf32>
        %parallel_loop3A_493 = arith.constant 16 : i32
        %parallel_loop3A_494 = arith.muli %parallel_loop3A_86, %parallel_loop3A_493 : i32
        %parallel_loop3A_495 = arith.constant 0 : i32
        %parallel_loop3A_496 = arith.addi %parallel_loop3A_494, %parallel_loop3A_495 : i32
        %parallel_loop3A_497 = arith.constant 128 : i32
        %parallel_loop3A_498 = arith.muli %add3A_41, %parallel_loop3A_497 : i32
        %parallel_loop3A_499 = arith.addi %parallel_loop3A_498, %parallel_loop3A_88 : i32
        %parallel_loop3A_500 = arith.index_cast %parallel_loop3A_496 : i32 to index
        %parallel_loop3A_501 = arith.index_cast %parallel_loop3A_499 : i32 to index
        %parallel_loop3A_502 = tpu.vector_load %arg8[%parallel_loop3A_500, %parallel_loop3A_501] {strides = array<i32>} : memref<128x512xf32, #tpu.memory_space<vmem>>, vector<16xf32>,
        tpu.vector_store %arg8[%parallel_loop3A_500, %parallel_loop3A_501], %parallel_loop3A_432 {strides = array<i32>} : memref<128x512xf32, #tpu.memory_space<vmem>>, vector<16xf32>,
        %parallel_loop3A_503 = arith.constant 16 : i32
        %parallel_loop3A_504 = arith.muli %parallel_loop3A_86, %parallel_loop3A_503 : i32
        %parallel_loop3A_505 = arith.constant 1 : i32
        %parallel_loop3A_506 = arith.addi %parallel_loop3A_504, %parallel_loop3A_505 : i32
        %parallel_loop3A_507 = arith.constant 128 : i32
        %parallel_loop3A_508 = arith.muli %add3A_41, %parallel_loop3A_507 : i32
        %parallel_loop3A_509 = arith.addi %parallel_loop3A_508, %parallel_loop3A_88 : i32
        %parallel_loop3A_510 = arith.index_cast %parallel_loop3A_506 : i32 to index
        %parallel_loop3A_511 = arith.index_cast %parallel_loop3A_509 : i32 to index
        %parallel_loop3A_512 = tpu.vector_load %arg8[%parallel_loop3A_510, %parallel_loop3A_511] {strides = array<i32>} : memref<128x512xf32, #tpu.memory_space<vmem>>, vector<16xf32>,
        tpu.vector_store %arg8[%parallel_loop3A_510, %parallel_loop3A_511], %parallel_loop3A_440 {strides = array<i32>} : memref<128x512xf32, #tpu.memory_space<vmem>>, vector<16xf32>,
        %parallel_loop3A_513 = arith.constant 16 : i32
        %parallel_loop3A_514 = arith.muli %parallel_loop3A_86, %parallel_loop3A_513 : i32
        %parallel_loop3A_515 = arith.constant 2 : i32
        %parallel_loop3A_516 = arith.addi %parallel_loop3A_514, %parallel_loop3A_515 : i32
        %parallel_loop3A_517 = arith.constant 128 : i32
        %parallel_loop3A_518 = arith.muli %add3A_41, %parallel_loop3A_517 : i32
        %parallel_loop3A_519 = arith.addi %parallel_loop3A_518, %parallel_loop3A_88 : i32
        %parallel_loop3A_520 = arith.index_cast %parallel_loop3A_516 : i32 to index
        %parallel_loop3A_521 = arith.index_cast %parallel_loop3A_519 : i32 to index
        %parallel_loop3A_522 = tpu.vector_load %arg8[%parallel_loop3A_520, %parallel_loop3A_521] {strides = array<i32>} : memref<128x512xf32, #tpu.memory_space<vmem>>, vector<16xf32>,
        tpu.vector_store %arg8[%parallel_loop3A_520, %parallel_loop3A_521], %parallel_loop3A_448 {strides = array<i32>} : memref<128x512xf32, #tpu.memory_space<vmem>>, vector<16xf32>,
        %parallel_loop3A_523 = arith.constant 16 : i32
        %parallel_loop3A_524 = arith.muli %parallel_loop3A_86, %parallel_loop3A_523 : i32
        %parallel_loop3A_525 = arith.constant 3 : i32
        %parallel_loop3A_526 = arith.addi %parallel_loop3A_524, %parallel_loop3A_525 : i32
        %parallel_loop3A_527 = arith.constant 128 : i32
        %parallel_loop3A_528 = arith.muli %add3A_41, %parallel_loop3A_527 : i32
        %parallel_loop3A_529 = arith.addi %parallel_loop3A_528, %parallel_loop3A_88 : i32
        %parallel_loop3A_530 = arith.index_cast %parallel_loop3A_526 : i32 to index
        %parallel_loop3A_531 = arith.index_cast %parallel_loop3A_529 : i32 to index
        %parallel_loop3A_532 = tpu.vector_load %arg8[%parallel_loop3A_530, %parallel_loop3A_531] {strides = array<i32>} : memref<128x512xf32, #tpu.memory_space<vmem>>, vector<16xf32>,
        tpu.vector_store %arg8[%parallel_loop3A_530, %parallel_loop3A_531], %parallel_loop3A_456 {strides = array<i32>} : memref<128x512xf32, #tpu.memory_space<vmem>>, vector<16xf32>,
        %parallel_loop3A_533 = arith.constant 16 : i32
        %parallel_loop3A_534 = arith.muli %parallel_loop3A_86, %parallel_loop3A_533 : i32
        %parallel_loop3A_535 = arith.constant 4 : i32
        %parallel_loop3A_536 = arith.addi %parallel_loop3A_534, %parallel_loop3A_535 : i32
        %parallel_loop3A_537 = arith.constant 128 : i32
        %parallel_loop3A_538 = arith.muli %add3A_41, %parallel_loop3A_537 : i32
        %parallel_loop3A_539 = arith.addi %parallel_loop3A_538, %parallel_loop3A_88 : i32
        %parallel_loop3A_540 = arith.index_cast %parallel_loop3A_536 : i32 to index
        %parallel_loop3A_541 = arith.index_cast %parallel_loop3A_539 : i32 to index
        %parallel_loop3A_542 = tpu.vector_load %arg8[%parallel_loop3A_540, %parallel_loop3A_541] {strides = array<i32>} : memref<128x512xf32, #tpu.memory_space<vmem>>, vector<16xf32>,
        tpu.vector_store %arg8[%parallel_loop3A_540, %parallel_loop3A_541], %parallel_loop3A_464 {strides = array<i32>} : memref<128x512xf32, #tpu.memory_space<vmem>>, vector<16xf32>,
        %parallel_loop3A_543 = arith.constant 16 : i32
        %parallel_loop3A_544 = arith.muli %parallel_loop3A_86, %parallel_loop3A_543 : i32
        %parallel_loop3A_545 = arith.constant 5 : i32
        %parallel_loop3A_546 = arith.addi %parallel_loop3A_544, %parallel_loop3A_545 : i32
        %parallel_loop3A_547 = arith.constant 128 : i32
        %parallel_loop3A_548 = arith.muli %add3A_41, %parallel_loop3A_547 : i32
        %parallel_loop3A_549 = arith.addi %parallel_loop3A_548, %parallel_loop3A_88 : i32
        %parallel_loop3A_550 = arith.index_cast %parallel_loop3A_546 : i32 to index
        %parallel_loop3A_551 = arith.index_cast %parallel_loop3A_549 : i32 to index
        %parallel_loop3A_552 = tpu.vector_load %arg8[%parallel_loop3A_550, %parallel_loop3A_551] {strides = array<i32>} : memref<128x512xf32, #tpu.memory_space<vmem>>, vector<16xf32>,
        tpu.vector_store %arg8[%parallel_loop3A_550, %parallel_loop3A_551], %parallel_loop3A_472 {strides = array<i32>} : memref<128x512xf32, #tpu.memory_space<vmem>>, vector<16xf32>,
        %parallel_loop3A_553 = arith.constant 16 : i32
        %parallel_loop3A_554 = arith.muli %parallel_loop3A_86, %parallel_loop3A_553 : i32
        %parallel_loop3A_555 = arith.constant 6 : i32
        %parallel_loop3A_556 = arith.addi %parallel_loop3A_554, %parallel_loop3A_555 : i32
        %parallel_loop3A_557 = arith.constant 128 : i32
        %parallel_loop3A_558 = arith.muli %add3A_41, %parallel_loop3A_557 : i32
        %parallel_loop3A_559 = arith.addi %parallel_loop3A_558, %parallel_loop3A_88 : i32
        %parallel_loop3A_560 = arith.index_cast %parallel_loop3A_556 : i32 to index
        %parallel_loop3A_561 = arith.index_cast %parallel_loop3A_559 : i32 to index
        %parallel_loop3A_562 = tpu.vector_load %arg8[%parallel_loop3A_560, %parallel_loop3A_561] {strides = array<i32>} : memref<128x512xf32, #tpu.memory_space<vmem>>, vector<16xf32>,
        tpu.vector_store %arg8[%parallel_loop3A_560, %parallel_loop3A_561], %parallel_loop3A_480 {strides = array<i32>} : memref<128x512xf32, #tpu.memory_space<vmem>>, vector<16xf32>,
        %parallel_loop3A_563 = arith.constant 16 : i32
        %parallel_loop3A_564 = arith.muli %parallel_loop3A_86, %parallel_loop3A_563 : i32
        %parallel_loop3A_565 = arith.constant 7 : i32
        %parallel_loop3A_566 = arith.addi %parallel_loop3A_564, %parallel_loop3A_565 : i32
        %parallel_loop3A_567 = arith.constant 128 : i32
        %parallel_loop3A_568 = arith.muli %add3A_41, %parallel_loop3A_567 : i32
        %parallel_loop3A_569 = arith.addi %parallel_loop3A_568, %parallel_loop3A_88 : i32
        %parallel_loop3A_570 = arith.index_cast %parallel_loop3A_566 : i32 to index
        %parallel_loop3A_571 = arith.index_cast %parallel_loop3A_569 : i32 to index
        %parallel_loop3A_572 = tpu.vector_load %arg8[%parallel_loop3A_570, %parallel_loop3A_571] {strides = array<i32>} : memref<128x512xf32, #tpu.memory_space<vmem>>, vector<16xf32>,
        tpu.vector_store %arg8[%parallel_loop3A_570, %parallel_loop3A_571], %parallel_loop3A_488 {strides = array<i32>} : memref<128x512xf32, #tpu.memory_space<vmem>>, vector<16xf32>,
        %parallel_loop3A_573 = arith.constant 16 : i32
        %parallel_loop3A_574 = arith.muli %parallel_loop3A_86, %parallel_loop3A_573 : i32
        %parallel_loop3A_575 = arith.constant 8 : i32
        %parallel_loop3A_576 = arith.addi %parallel_loop3A_574, %parallel_loop3A_575 : i32
        %parallel_loop3A_577 = arith.constant 128 : i32
        %parallel_loop3A_578 = arith.muli %add3A_41, %parallel_loop3A_577 : i32
        %parallel_loop3A_579 = arith.addi %parallel_loop3A_578, %parallel_loop3A_88 : i32
        %parallel_loop3A_580 = arith.index_cast %parallel_loop3A_576 : i32 to index
        %parallel_loop3A_581 = arith.index_cast %parallel_loop3A_579 : i32 to index
        %parallel_loop3A_582 = tpu.vector_load %arg8[%parallel_loop3A_580, %parallel_loop3A_581] {strides = array<i32>} : memref<128x512xf32, #tpu.memory_space<vmem>>, vector<16xf32>,
        tpu.vector_store %arg8[%parallel_loop3A_580, %parallel_loop3A_581], %parallel_loop3A_436 {strides = array<i32>} : memref<128x512xf32, #tpu.memory_space<vmem>>, vector<16xf32>,
        %parallel_loop3A_583 = arith.constant 16 : i32
        %parallel_loop3A_584 = arith.muli %parallel_loop3A_86, %parallel_loop3A_583 : i32
        %parallel_loop3A_585 = arith.constant 9 : i32
        %parallel_loop3A_586 = arith.addi %parallel_loop3A_584, %parallel_loop3A_585 : i32
        %parallel_loop3A_587 = arith.constant 128 : i32
        %parallel_loop3A_588 = arith.muli %add3A_41, %parallel_loop3A_587 : i32
        %parallel_loop3A_589 = arith.addi %parallel_loop3A_588, %parallel_loop3A_88 : i32
        %parallel_loop3A_590 = arith.index_cast %parallel_loop3A_586 : i32 to index
        %parallel_loop3A_591 = arith.index_cast %parallel_loop3A_589 : i32 to index
        %parallel_loop3A_592 = tpu.vector_load %arg8[%parallel_loop3A_590, %parallel_loop3A_591] {strides = array<i32>} : memref<128x512xf32, #tpu.memory_space<vmem>>, vector<16xf32>,
        tpu.vector_store %arg8[%parallel_loop3A_590, %parallel_loop3A_591], %parallel_loop3A_444 {strides = array<i32>} : memref<128x512xf32, #tpu.memory_space<vmem>>, vector<16xf32>,
        %parallel_loop3A_593 = arith.constant 16 : i32
        %parallel_loop3A_594 = arith.muli %parallel_loop3A_86, %parallel_loop3A_593 : i32
        %parallel_loop3A_595 = arith.constant 10 : i32
        %parallel_loop3A_596 = arith.addi %parallel_loop3A_594, %parallel_loop3A_595 : i32
        %parallel_loop3A_597 = arith.constant 128 : i32
        %parallel_loop3A_598 = arith.muli %add3A_41, %parallel_loop3A_597 : i32
        %parallel_loop3A_599 = arith.addi %parallel_loop3A_598, %parallel_loop3A_88 : i32
        %parallel_loop3A_600 = arith.index_cast %parallel_loop3A_596 : i32 to index
        %parallel_loop3A_601 = arith.index_cast %parallel_loop3A_599 : i32 to index
        %parallel_loop3A_602 = tpu.vector_load %arg8[%parallel_loop3A_600, %parallel_loop3A_601] {strides = array<i32>} : memref<128x512xf32, #tpu.memory_space<vmem>>, vector<16xf32>,
        tpu.vector_store %arg8[%parallel_loop3A_600, %parallel_loop3A_601], %parallel_loop3A_452 {strides = array<i32>} : memref<128x512xf32, #tpu.memory_space<vmem>>, vector<16xf32>,
        %parallel_loop3A_603 = arith.constant 16 : i32
        %parallel_loop3A_604 = arith.muli %parallel_loop3A_86, %parallel_loop3A_603 : i32
        %parallel_loop3A_605 = arith.constant 11 : i32
        %parallel_loop3A_606 = arith.addi %parallel_loop3A_604, %parallel_loop3A_605 : i32
        %parallel_loop3A_607 = arith.constant 128 : i32
        %parallel_loop3A_608 = arith.muli %add3A_41, %parallel_loop3A_607 : i32
        %parallel_loop3A_609 = arith.addi %parallel_loop3A_608, %parallel_loop3A_88 : i32
        %parallel_loop3A_610 = arith.index_cast %parallel_loop3A_606 : i32 to index
        %parallel_loop3A_611 = arith.index_cast %parallel_loop3A_609 : i32 to index
        %parallel_loop3A_612 = tpu.vector_load %arg8[%parallel_loop3A_610, %parallel_loop3A_611] {strides = array<i32>} : memref<128x512xf32, #tpu.memory_space<vmem>>, vector<16xf32>,
        tpu.vector_store %arg8[%parallel_loop3A_610, %parallel_loop3A_611], %parallel_loop3A_460 {strides = array<i32>} : memref<128x512xf32, #tpu.memory_space<vmem>>, vector<16xf32>,
        %parallel_loop3A_613 = arith.constant 16 : i32
        %parallel_loop3A_614 = arith.muli %parallel_loop3A_86, %parallel_loop3A_613 : i32
        %parallel_loop3A_615 = arith.constant 12 : i32
        %parallel_loop3A_616 = arith.addi %parallel_loop3A_614, %parallel_loop3A_615 : i32
        %parallel_loop3A_617 = arith.constant 128 : i32
        %parallel_loop3A_618 = arith.muli %add3A_41, %parallel_loop3A_617 : i32
        %parallel_loop3A_619 = arith.addi %parallel_loop3A_618, %parallel_loop3A_88 : i32
        %parallel_loop3A_620 = arith.index_cast %parallel_loop3A_616 : i32 to index
        %parallel_loop3A_621 = arith.index_cast %parallel_loop3A_619 : i32 to index
        %parallel_loop3A_622 = tpu.vector_load %arg8[%parallel_loop3A_620, %parallel_loop3A_621] {strides = array<i32>} : memref<128x512xf32, #tpu.memory_space<vmem>>, vector<16xf32>,
        tpu.vector_store %arg8[%parallel_loop3A_620, %parallel_loop3A_621], %parallel_loop3A_468 {strides = array<i32>} : memref<128x512xf32, #tpu.memory_space<vmem>>, vector<16xf32>,
        %parallel_loop3A_623 = arith.constant 16 : i32
        %parallel_loop3A_624 = arith.muli %parallel_loop3A_86, %parallel_loop3A_623 : i32
        %parallel_loop3A_625 = arith.constant 13 : i32
        %parallel_loop3A_626 = arith.addi %parallel_loop3A_624, %parallel_loop3A_625 : i32
        %parallel_loop3A_627 = arith.constant 128 : i32
        %parallel_loop3A_628 = arith.muli %add3A_41, %parallel_loop3A_627 : i32
        %parallel_loop3A_629 = arith.addi %parallel_loop3A_628, %parallel_loop3A_88 : i32
        %parallel_loop3A_630 = arith.index_cast %parallel_loop3A_626 : i32 to index
        %parallel_loop3A_631 = arith.index_cast %parallel_loop3A_629 : i32 to index
        %parallel_loop3A_632 = tpu.vector_load %arg8[%parallel_loop3A_630, %parallel_loop3A_631] {strides = array<i32>} : memref<128x512xf32, #tpu.memory_space<vmem>>, vector<16xf32>,
        tpu.vector_store %arg8[%parallel_loop3A_630, %parallel_loop3A_631], %parallel_loop3A_476 {strides = array<i32>} : memref<128x512xf32, #tpu.memory_space<vmem>>, vector<16xf32>,
        %parallel_loop3A_633 = arith.constant 16 : i32
        %parallel_loop3A_634 = arith.muli %parallel_loop3A_86, %parallel_loop3A_633 : i32
        %parallel_loop3A_635 = arith.constant 14 : i32
        %parallel_loop3A_636 = arith.addi %parallel_loop3A_634, %parallel_loop3A_635 : i32
        %parallel_loop3A_637 = arith.constant 128 : i32
        %parallel_loop3A_638 = arith.muli %add3A_41, %parallel_loop3A_637 : i32
        %parallel_loop3A_639 = arith.addi %parallel_loop3A_638, %parallel_loop3A_88 : i32
        %parallel_loop3A_640 = arith.index_cast %parallel_loop3A_636 : i32 to index
        %parallel_loop3A_641 = arith.index_cast %parallel_loop3A_639 : i32 to index
        %parallel_loop3A_642 = tpu.vector_load %arg8[%parallel_loop3A_640, %parallel_loop3A_641] {strides = array<i32>} : memref<128x512xf32, #tpu.memory_space<vmem>>, vector<16xf32>,
        tpu.vector_store %arg8[%parallel_loop3A_640, %parallel_loop3A_641], %parallel_loop3A_484 {strides = array<i32>} : memref<128x512xf32, #tpu.memory_space<vmem>>, vector<16xf32>,
        %parallel_loop3A_643 = arith.constant 16 : i32
        %parallel_loop3A_644 = arith.muli %parallel_loop3A_86, %parallel_loop3A_643 : i32
        %parallel_loop3A_645 = arith.constant 15 : i32
        %parallel_loop3A_646 = arith.addi %parallel_loop3A_644, %parallel_loop3A_645 : i32
        %parallel_loop3A_647 = arith.constant 128 : i32
        %parallel_loop3A_648 = arith.muli %add3A_41, %parallel_loop3A_647 : i32
        %parallel_loop3A_649 = arith.addi %parallel_loop3A_648, %parallel_loop3A_88 : i32
        %parallel_loop3A_650 = arith.index_cast %parallel_loop3A_646 : i32 to index
        %parallel_loop3A_651 = arith.index_cast %parallel_loop3A_649 : i32 to index
        %parallel_loop3A_652 = tpu.vector_load %arg8[%parallel_loop3A_650, %parallel_loop3A_651] {strides = array<i32>} : memref<128x512xf32, #tpu.memory_space<vmem>>, vector<16xf32>,
        tpu.vector_store %arg8[%parallel_loop3A_650, %parallel_loop3A_651], %parallel_loop3A_492 {strides = array<i32>} : memref<128x512xf32, #tpu.memory_space<vmem>>, vector<16xf32>,
      } {sc.loop_unroll_factor = 2 : i64, sc.parallel_access}
      %scan3A_45 = arith.constant 0 : i32
      scf.yield %scan3A_45 : i32
    }
    %scan3A_12 = arith.constant 2 : i32
    "tpu.region"() ({
      %run_scoped3A = tpu.sem_alloc : memref<!tpu.dma_semaphore, #tpu.memory_space<semaphore_mem>>
      %dma_start3A_13 = arith.constant 0 : i32
      %dma_start3A_14 = tpu.memref_slice %arg4[%dma_start3A_13, %mul3A_2] : memref<128x16384xf32, #tpu.memory_space<hbm>> -> memref<128x512xf32, #tpu.memory_space<hbm>>
      %dma_start3A_15 = arith.constant 0 : i32
      %dma_start3A_16 = tpu.memref_slice %arg4[%dma_start3A_15, %mul3A_2] : memref<128x16384xf32, #tpu.memory_space<hbm>> -> memref<128x512xf32, #tpu.memory_space<hbm>>
      tpu.enqueue_dma source(%arg8 : memref<128x512xf32, #tpu.memory_space<vmem>>) target(%dma_start3A_16 : memref<128x512xf32, #tpu.memory_space<hbm>>) target_semaphore(%run_scoped3A : memref<!tpu.dma_semaphore, #tpu.memory_space<semaphore_mem>>)
      %dma_wait3A = arith.constant 0 : i32
      %dma_wait3A_17 = tpu.memref_slice %arg4[%dma_wait3A, %mul3A_2] : memref<128x16384xf32, #tpu.memory_space<hbm>> -> memref<128x512xf32, #tpu.memory_space<hbm>>
      %dma_wait3A_18 = arith.constant 0 : i32
      %dma_wait3A_19 = tpu.memref_slice %arg4[%dma_wait3A_18, %mul3A_2] : memref<128x16384xf32, #tpu.memory_space<hbm>> -> memref<128x512xf32, #tpu.memory_space<hbm>>
      tpu.wait_dma2 semaphore(%run_scoped3A : memref<!tpu.dma_semaphore, #tpu.memory_space<semaphore_mem>>) src(%arg8 : memref<128x512xf32, #tpu.memory_space<vmem>>) dst(%dma_wait3A_19 : memref<128x512xf32, #tpu.memory_space<hbm>>)
      tpu.yield
    }) : () -> ()
    return
  }
}

</mosaic_0001>

<sc_bundles>
// kernel: kernel.3.cloned.1.call-start
scs
__scs_entry_jumppad:
0x0: {  	(pc) =	sbr.rel $0x88, $3  }
0x1: {  	(tag) =	ssettag $0x0;
	lr =	simm.s32 $0x1  }
0x2: {  	[smem:$0x3F9F] =	sst lr;
	_ =	strace $0xD0000000  }
0x3: {  	_ = 	snop  }
0x4: {  	_ = 	snop  }
0x5: {  	_ = 	snop  }
0x6: {  	_ = 	snop  }
0x7: {  	_ = 	snop  }
__scs_overlays_trampoline_lowered:
0x8: {  	[smem:$0x3FAE] =	sst s0  }
0x9: {  	[smem:$0x3FAF] =	sst s1  }
0xa: {  	[smem:$0x3FB0] =	sst s2  }
0xb: {  	[smem:$0x3FB1] =	sst s3  }
0xc: {  	[smem:$0x3FB2] =	sst s4  }
0xd: {  	[smem:$0x3FB3] =	sst s5  }
0xe: {  	[smem:$0x3FB4] =	sst s6  }
0xf: {  	[smem:$0x3FB5] =	sst s7  }
0x10: {  	[smem:$0x3FB6] =	sst s8  }
0x11: {  	[smem:$0x3FB7] =	sst s9;
	s0 =	simm.s32 @!p0 $0x0  }
0x12: {  	s1 =	sld [smem:$0x3F9D];
	s0 =	simm.s32 @p0 $0x1  }
0x13: {  	[smem:$0x3FB8] =	sst s0;
	s0 =	simm.s32 @!p1 $0x0  }
0x14: {  	s2 =	sld [smem:$0x3F9C];
	s0 =	simm.s32 @p1 $0x1  }
0x15: {  	[smem:$0x3FB9] =	sst s0;
	s0 =	simm.s32 @!p2 $0x0  }
0x16: {  	s3 =	sld [smem:$0x3FDB];
	s0 =	simm.s32 @p2 $0x1  }
0x17: {  	s4 =	simm.s32 $0x1BF5;
	[smem:$0x3FBB] =	sst s0  }
0x18: {  	s0 =	sld [smem:$0x3F9E];
	_ =	swait.ge [sflag:s4], $0x0  }
0x19: {  	s7 =	sld [smem:$0x3F9F]  }
0x1a: {  	s8 =	sadd.s32 $0xFFFFE003, lr  }
0x1b: {  	s9 =	sadd.s32 $0xFFFFFEF7, lr;
	s5 =	simm.s32 $0xFFFFFFFF;
	p2 =	slt.u32 s8, $0xFFFFF086  }
0x1c: {  	p1 =	slt.u32 s9, $0xF7A;
	s5 =	simm.s32 @!p2 $0x0  }
0x1d: {  	s5 =	simm.s32 @p1 $0x1;
	p0 =	seq.s32 s7, s2  }
0x1e: {  	s7 =	smul.u32 @!p0 $0xF7A, s2;
	p2 =	seq.s32 @!p0 s5, $0x0  }
0x1f: {  	s9 =	smul.u32 $0xF7A, s1;
	s8 =	simm.s32 @!p0 $0x1BF5;
	p2 =	por !p2, p0  }
0x20: {  	[sflag:s8] =	ssyncset.s32 @!p0 $0xFFFFF086;
	s6 =	sadd.s32 @!p0 s3, s7;
	s7 =	simm.s32 @!p0 $0x108  }
0x21: {  	s3 =	sadd.s32 s3, s9;
	s6 =	sadd.s32 @!p0 $0x88, s6;
	s7 =	simm.s32 @p2 $0x1082  }
0x22: {  	[simem:s7], [sflag:s8] =	dma.local @!p0 [hbm:s6], $0xF7A  }
0x23: {  	s9 =	sor.u32 $0xD0000000, s2;
	s6 =	simm.s32 $0x108;
	_ =	swait.ge @!p0 [sflag:s8], $0x0  }
0x24: {  	s3 =	sadd.s32 $0x88, s3;
	s6 =	simm.s32 @!p1 $0x1082;
	[sflag:s4] =	ssyncset.s32 $0xFFFFF086  }
0x25: {  	[simem:s6], [sflag:s4] =	dma.local [hbm:s3], $0xF7A  }
0x26: {  	[smem:$0x3F9F] =	sst s1;
	(tag) =	ssettag s2;
	_ =	strace s9  }
0x27: {  	s1 =	sld [smem:$0x3FAF]  }
0x28: {  	s2 =	sld [smem:$0x3FB0]  }
0x29: {  	s4 =	sld [smem:$0x3FB2]  }
0x2a: {  	p0 =	seq.s32 s5, $0x0;
	s5 =	sld [smem:$0x3FB3]  }
0x2b: {  	s6 =	sld [smem:$0x3FB4]  }
0x2c: {  	s7 =	sld [smem:$0x3FB5]  }
0x2d: {  	s3 =	simm.s32 $0x108;
	s8 =	sld [smem:$0x3FB6]  }
0x2e: {  	s3 =	simm.s32 @!p0 $0x1082;
	s9 =	sld [smem:$0x3FB7]  }
0x2f: {  	lr =	sadd.s32 s0, s3;
	s0 =	sld [smem:$0x3FAE]  }
0x30: {  	s3 =	sld [smem:$0x3FB1]  }
0x31: {  	[smem:$0x3FBA] =	sst s10  }
0x32: {  	s10 =	sld [smem:$0x3FB8];
	_ =	sdelay $0x3  }
0x33: {  	p0 =	seq.s32 s10, $0x1;
	s10 =	sld [smem:$0x3FBA];
	_ =	sdelay $0x3  }
0x34: {  	[smem:$0x3FBA] =	sst s10  }
0x35: {  	s10 =	sld [smem:$0x3FB9];
	_ =	sdelay $0x3  }
0x36: {  	p1 =	seq.s32 s10, $0x1;
	s10 =	sld [smem:$0x3FBA];
	_ =	sdelay $0x3  }
0x37: {  	[smem:$0x3FBA] =	sst s10  }
0x38: {  	s10 =	sld [smem:$0x3FBB]  }
0x39: {  	_ = 	snop;
	(pc) =	sbr.ind lr, $3  }
0x3a: {  	_ = 	snop  }
0x3b: {  	_ = 	snop  }
0x3c: {  	p2 =	seq.s32 s10, $0x1;
	s10 =	sld [smem:$0x3FBA]  }
0x3d: {  	_ =	shalt  }
0x3e: {  	_ =	shalt  }
0x3f: {  	_ =	shalt  }
0x40: {  	_ =	shalt  }
0x41: {  	_ =	shalt  }
0x42: {  	_ =	shalt  }
0x43: {  	_ =	shalt  }
0x44: {  	_ =	shalt  }
0x45: {  	_ =	shalt  }
0x46: {  	_ =	shalt  }
0x47: {  	_ =	shalt  }
0x48: {  	_ =	shalt  }
0x49: {  	_ =	shalt  }
0x4a: {  	_ =	shalt  }
0x4b: {  	_ =	shalt  }
0x4c: {  	_ =	shalt  }
0x4d: {  	_ =	shalt  }
0x4e: {  	_ =	shalt  }
0x4f: {  	_ =	shalt  }
0x50: {  	_ =	shalt  }
0x51: {  	_ =	shalt  }
0x52: {  	_ =	shalt  }
0x53: {  	_ =	shalt  }
0x54: {  	_ =	shalt  }
0x55: {  	_ =	shalt  }
0x56: {  	_ =	shalt  }
0x57: {  	_ =	shalt  }
0x58: {  	_ =	shalt  }
0x59: {  	_ =	shalt  }
0x5a: {  	_ =	shalt  }
0x5b: {  	_ =	shalt  }
0x5c: {  	_ =	shalt  }
0x5d: {  	_ =	shalt  }
0x5e: {  	_ =	shalt  }
0x5f: {  	_ =	shalt  }
0x60: {  	_ =	shalt  }
0x61: {  	_ =	shalt  }
0x62: {  	_ =	shalt  }
0x63: {  	_ =	shalt  }
0x64: {  	_ =	shalt  }
0x65: {  	_ =	shalt  }
0x66: {  	_ =	shalt  }
0x67: {  	_ =	shalt  }
0x68: {  	_ =	shalt  }
0x69: {  	_ =	shalt  }
0x6a: {  	_ =	shalt  }
0x6b: {  	_ =	shalt  }
0x6c: {  	_ =	shalt  }
0x6d: {  	_ =	shalt  }
0x6e: {  	_ =	shalt  }
0x6f: {  	_ =	shalt  }
0x70: {  	_ =	shalt  }
0x71: {  	_ =	shalt  }
0x72: {  	_ =	shalt  }
0x73: {  	_ =	shalt  }
0x74: {  	_ =	shalt  }
0x75: {  	_ =	shalt  }
0x76: {  	_ =	shalt  }
0x77: {  	_ =	shalt  }
0x78: {  	_ =	shalt  }
0x79: {  	_ =	shalt  }
0x7a: {  	_ =	shalt  }
0x7b: {  	_ =	shalt  }
0x7c: {  	_ =	shalt  }
0x7d: {  	_ =	shalt  }
0x7e: {  	_ =	shalt  }
0x7f: {  	_ =	shalt  }
0x80: {  	_ =	shalt  }
0x81: {  	_ =	shalt  }
0x82: {  	_ =	shalt  }
0x83: {  	_ =	shalt  }
0x84: {  	_ =	shalt  }
0x85: {  	_ =	shalt  }
0x86: {  	_ =	shalt  }
0x87: {  	_ =	shalt  }
.Lfunc_end0:
.L_simem_size_0:
called_computation_lowered:
.L_overlay_start_0:
0x88: {  	s2 =	sld [smem:$0x3FD9]  }
0x89: {  	s3 =	sld [smem:$0x3FFE];
	_ =	sdelay $0x1  }
0x8a: {  	s1 =	srdreg.scid  }
0x8b: {  	s0 =	sand.u32 $0x1, s1  }
0x8c: {  	s17 =	sshll.u32 s0, $0xA;
	s2 =	sadd.s32 s3, s2  }
0x8d: {  	s2 =	sadd.s32 s2, s17  }
0x8e: {  	[smem:$0x3FC6] =	sst s2  }
0x8f: {  	_ = 	snop  }
0x90: {  	s2 =	sld [smem:$0x3FC9]  }
0x91: {  	s18 =	sld [smem:$0x3FC8];
	(tm) =	ssettm $0x1  }
0x92: {  	s4 =	sld [smem:$0x3FFB];
	_ =	sdelay $0x3  }
0x93: {  	_ =	strace s4  }
0x94: {  	s4 =	sld [smem:$0x3FFC];
	_ =	sdelay $0x3  }
0x95: {  	_ =	strace s4  }
0x96: {  	s4 =	sld [smem:$0x3FFD];
	_ =	sdelay $0x3  }
0x97: {  	_ =	strace s4  }
0x98: {  	_ =	strace $0x8FFFFFFF  }
0x99: {  	s19 =	sld [smem:$0x3FDB];
	_ =	sdelay $0x1  }
0x9a: {  	s5 =	simm.s32 $_scs_section_size  }
0x9b: {  	s6 =	simm.s32 $_size__tile_overlayer_lowered;
	s7 =	simm.s32 $_tile_overlayer_lowered  }
0x9c: {  	s22 =	simm.s32 $0x1BFF;
	s21 =	sshll.u32 s7, $0x1;
	s4 =	sadd.s32 s5, s19  }
0x9d: {  	s8 =	simm.s32 $0x0;
	s20 =	sshll.u32 s6, $0x1;
	s6 =	sadd.s32 s21, s4  }
0x9e: {  	[timem:s8], [sflag:s22] =	dma.local [hbm:s6], s20  }
0x9f: {  	_ =	swait.ge [sflag:s22], s20  }
0xa0: {  	s5 =	ssub.s32 $0x0, s20;
	[sflag:s22] =	ssyncset.done $0x0  }
0xa1: {  	[sflag:s22] =	ssyncadd.s32 s5;
	_ =	sdelay $0x1  }
0xa2: {  	s23 =	simm.s32 $0x1B8B  }
0xa3: {  	_ =	swait.ge [sflag:s23], $0x1  }
0xa4: {  	[sflag:s23] =	ssyncset.done $0x0  }
0xa5: {  	s25 =	simm.s32 $0x1B8E;
	s24 =	sld [smem:$0x3FFE];
	[sflag:s23] =	ssyncadd.s32 $0xFFFFFFFF  }
0xa6: {  	s26 =	simm.s32 $execute0_lowered;
	[smem:$0x3FD2] =	sst s25  }
0xa7: {  	s6 =	sshll.u32 s26, $0x1;
	_ =	strace $0x80000046;
	[dreg:$0x1] =	wrdreg $0xFFFFFFFF  }
0xa8: {  	s28 =	simm.s32 $_size_execute0_lowered;
	s4 =	sadd.s32 s4, s6;
	[dreg:$0x0] =	wrdreg $0x0  }
0xa9: {  	s6 =	sshll.u32 s28, $0x1;
	[dreg:$0x2] =	wrdreg s4  }
0xaa: {  	[dreg:$0x3] =	wrdreg s6  }
0xab: {  	[dreg:$0x4] =	wrdreg $0xC0  }
0xac: {  	_ =	task [dreg:s8], $0x5FFFF  }
0xad: {  	[dreg:$0x1] =	wrdreg $0xFFFFFFFF  }
0xae: {  	[dreg:$0x0] =	wrdreg $0x60  }
0xaf: {  	[dreg:$0x2] =	wrdreg s18  }
0xb0: {  	[dreg:$0x3] =	wrdreg s2  }
0xb1: {  	[dreg:$0x4] =	wrdreg s24  }
0xb2: {  	[dreg:$0x5] =	wrdreg $0x9  }
0xb3: {  	_ =	task.clear_ibuf [dreg:s8], $0x6FFFF;
	_ =	strace $0x90000046  }
0xb4: {  	s29 =	simm.s32 $0x9;
	_ =	strace $0x80000048  }
0xb5: {  	_ =	swait.ge [sflag:s29], $0x1  }
0xb6: {  	[sflag:s29] =	ssyncadd.s32 $0xFFFFFFFF  }
0xb7: {  	_ =	strace $0x90000048  }
0xb8: {  	_ =	sfence  }
0xb9: {  	s30 =	sld [smem:$0x0];
	_ =	sdelay $0x2  }
0xba: {  	s31 =	sshll.u32 s1, $0xD;
	s1 =	sshrl.u32 s1, $0x2  }
0xbb: {  	s3 =	sand.u32 $0x4000, s31;
	s1 =	sadd.s32 s1, s30  }
0xbc: {  	s0 =	sor.u32 s3, s0;
	s1 =	sshll.u32 s1, $0x11  }
0xbd: {  	s0 =	sor.u32 s1, s0  }
0xbe: {  	s0 =	sadd.s32 $0x8F2B, s0  }
0xbf: {  	[sflag:s0] =	ssyncadd.remote.s32 $0x1  }
0xc0: {  	_ =	sfence.sel $0xFFFF  }
0xc1: {  	[dreg:$0x0] =	wrdreg $0xFFFFFFFF;
	(pc) =	sbr.abs _section_cstart, $3  }
0xc2: {  	[dreg:$0x1] =	wrdreg $0xFFFFFFFF  }
0xc3: {  	_ =	task.clear_ibuf [dreg:s8], $0x2FFFF;
	_ =	strace $0x9FFFFFFF  }
0xc4: {  	(tm) =	ssettm $0x7FFFFFFF  }
0xc5: {  	_ =	shalt  }
tec
execute0_lowered:
.L_overlay_start_1:
0x0: {  	(tag) =	ssettag $0x1  }
0x1: {  	v0 =	vimm.s32 $0xEFCDAB89  }
0x2: {  	vm0 =	vcmask $0xB08;
	vm1 =	vcmask $0x300;
	v1 =	vimm.s32 $0x67452301  }
0x3: {  	v2 =	vimm.s32 $0xDCFE98BA;
	v3 =	vimm.s32 $0x54761032;
	vm2 =	vcmask $0x700  }
0x4: {  	vm3 =	vcmask $0x3B38;
	v4 =	vimm.s32 $0xFEDCBA98;
	v5 =	vimm.s32 $0x76543210  }
0x5: {  	v0 =	vunpack.c.l.s4.s8 v0;
	vm0 =	vmor vm1, vm0;
	vm1 =	vcmask $0x1310  }
0x6: {  	v1 =	vunpack.c.l.s4.s8 v1;
	v2 =	vunpack.c.l.s4.s8 v2;
	v3 =	vunpack.c.l.s4.s8 v3  }
0x7: {  	vm0 =	vmor vm0, vm1;
	vm1 =	vcmask $0x1B18;
	v0 =	vunpack.c.0.s8.s32 v0  }
0x8: {  	vm0 =	vmor vm0, vm1;
	vm1 =	vcmask $0x2320;
	v1 =	vunpack.c.0.s8.s32 v1  }
0x9: {  	s0 =	rddreg [dreg:$0x0];
	v4 =	vunpack.c.l.s4.s8 v4;
	vm0 =	vmor vm0, vm1;
	vm1 =	vcmask $0x2B28  }
0xa: {  	s4 =	rddreg [dreg:$0x1];
	v0 =	vcombine.low v1, v0;
	v1 =	vunpack.c.0.s8.s32 v2;
	v2 =	vunpack.c.0.s8.s32 v3  }
0xb: {  	s2 =	srdreg.scid;
	s1 =	stileid.u32;
	vm0 =	vmor vm0, vm1;
	vm1 =	vcmask $0x3330;
	v3 =	vimm.s32 $0x32107654  }
0xc: {  	s5 =	rddreg [dreg:$0x2];
	s3 =	simm.s32 $0x0;
	s10 =	simm.s32 $0x4200;
	vm0 =	vmor vm0, vm1;
	v1 =	vcombine.low v2, v1;
	v2 =	vimm.s32 $0xBA98FEDC  }
0xd: {  	s11 =	simm.s32 $0x1;
	s12 =	simm.s32 $0x2;
	s13 =	simm.s32 $0x1000;
	vm1 =	vcmask $0x1710;
	v3 =	vunpack.c.l.s4.s8 v3;
	v2 =	vunpack.c.l.s4.s8 v2  }
0xe: {  	s14 =	simm.s32 $0x20000;
	s15 =	simm.s32 $0x8200;
	s16 =	simm.s32 $0x0;
	v5 =	vunpack.c.l.s4.s8 v5;
	v4 =	vunpack.c.0.s8.s32 v4;
	vm1 =	vmor vm2, vm1  }
0xf: {  	s6 =	sand.u32 $0x1, s2;
	s7 =	sshll.u32 s1, $0xA;
	s2 =	rddreg [dreg:$0x3];
	vm2 =	vcmask $0x2720;
	v3 =	vunpack.c.0.s8.s32 v3;
	v2 =	vunpack.c.0.s8.s32 v2  }
0x10: {  	[smem:$0x7FF] =	sst s3;
	s8 =	sshll.u32 s6, $0x9;
	s6 =	ssub.s32 $0x2, s6;
	v4 =	vand.u32 $0xF, v4;
	vm0 =	vmor vm0, vm3;
	vm1 =	vmor vm1, vm2  }
0x11: {  	_ =	strace $0x80000047;
	s7 =	sor.u32 s8, s7;
	s31 =	sshrl.u32 s6, $0x1;
	vm2 =	vcmask $0x3730;
	v2 =	vcombine.low v3, v2;
	v3 =	vunpack.c.0.s8.s32 v5  }
0x12: {  	s8 =	simm.s32 $0x80;
	s9 =	sshrl.u32 s7, $0x3;
	s5 =	sadd.s32 s7, s5;
	vm3 =	vcmask $0xF00;
	v0 =	vand.u32 $0xF, v0;
	vm1 =	vmor vm1, vm2  }
0x13: {  	s6 =	ssub.s32 s6, s31;
	s7 =	simm.s32 $0x3;
	s4 =	sadd.s32 s4, s9;
	vm2 =	vcmask $0x2F20;
	v1 =	vand.u32 $0xF, v1;
	v3 =	vcombine.low v4, v3  }
0x14: {  	s5 =	sadd.s32 $0x400, s5;
	s6 =	smax.u32 s6, $0x1;
	s9 =	simm.s32 $0x200;
	vm2 =	vmor vm3, vm2;
	vm3 =	vmmov $0xff;
	v2 =	vand.u32 $0xF, v2  }
.LBB2_1:
0x15: {  	[tilespmem:s3], [sflag:$0x3] =	stream.linear.gather [hbm4b:s4+s3], $0x200, $0x38;
	[tilespmem:$0x18200] =	vst v63  }
0x16: {  	_ =	swait.ge [sflag:s7], $0x200  }
0x17: {  	[sflag:s7] =	ssyncset.done $0x0  }
0x18: {  	p1 =	por $0x1, $0x1;
	s19 =	simm.s32 $0x0;
	[sflag:s7] =	ssyncadd.s32 $0xFFFFFE00  }
0x19: {  	[tilespmem:s9], [sflag:$0x1] =	stream.indirect.gather [hbm4b:s0+s8], $0x80, s3, s8, $0xb8;
	[tilespmem:$0x18200] =	vst v63  }
.LBB2_3:
0x1a: {  	s17 =	sshll.u32 s19, $0x8  }
0x1b: {  	s18 =	simm.s32 $0x0;
	s20 =	simm.s32 $0x0;
	s17 =	sor.u32 $0x80, s17  }
0x1c: {  	[tilespmem:s10], [sflag:$0x2] =	stream.indirect.gather [hbm4b:s0+s8], $0x80, s17, s8, $0xb8;
	[tilespmem:$0x18200] =	vst v63  }
0x1d: {  	s21 =	sand.u32 $0x60, s18;
	s20 =	sand.u32 $0x3FFFF800, s20;
	_ =	swait.ge [sflag:s11], $0x4000  }
0x1e: {  	s20 =	sor.u32 $0x200, s20;
	s22 =	sor.u32 $0x10, s21;
	[sflag:s11] =	ssyncset.done $0x0  }
0x1f: {  	s23 =	sor.u32 s22, s20;
	[sflag:s11] =	ssyncadd.s32 $0xFFFFC000  }
0x20: {  	v4 =	vld [tilespmem:s23+$0x0]  }
0x21: {  	v5 =	vld [tilespmem:s23+$0x80]  }
0x22: {  	v7 =	vld [tilespmem:s23+$0x100]  }
0x23: {  	v11 =	vld [tilespmem:s23+$0x280]  }
0x24: {  	s20 =	sor.u32 s21, s20;
	v19 =	vld [tilespmem:s23+$0x700]  }
0x25: {  	v24 =	vld [tilespmem:s20+$0x0]  }
0x26: {  	v29 =	vld [tilespmem:s20+$0x80]  }
0x27: {  	v31 =	vld [tilespmem:s20+$0x100]  }
0x28: {  	v32 =	vld [tilespmem:s20+$0x180]  }
0x29: {  	v35 =	vld [tilespmem:s20+$0x200]  }
0x2a: {  	v36 =	vld [tilespmem:s20+$0x280]  }
0x2b: {  	v37 =	vld [tilespmem:s20+$0x300]  }
0x2c: {  	v40 =	vld [tilespmem:s20+$0x380]  }
0x2d: {  	v43 =	vld [tilespmem:s20+$0x400]  }
0x2e: {  	v55 =	vld [tilespmem:s20+$0x480]  }
0x2f: {  	v45 =	vld [tilespmem:s20+$0x500];
	v6 =	vperm.xlane v5, v0  }
0x30: {  	v46 =	vld [tilespmem:s20+$0x580];
	v18 =	vperm.xlane v11, v0;
	v23 =	vperm.xlane v7, v0  }
0x31: {  	v47 =	vld [tilespmem:s20+$0x600];
	v27 =	vperm.xlane v19, v0;
	v38 =	vperm.xlane v29, v0  }
0x32: {  	v60 =	vld [tilespmem:s20+$0x680];
	v41 =	vperm.xlane v24, v0;
	v42 =	vperm.xlane v31, v0  }
0x33: {  	v62 =	vld [tilespmem:s20+$0x700];
	v44 =	vperm.xlane v32, v0;
	v56 =	vperm.xlane v35, v0  }
0x34: {  	v9 =	vld [tilespmem:s23+$0x180];
	v57 =	vperm.xlane v36, v0;
	v58 =	vperm.xlane v37, v0  }
0x35: {  	v26 =	vld [tilespmem:s23+$0x780];
	v59 =	vperm.xlane v40, v0;
	v61 =	vperm.xlane v43, v0  }
0x36: {  	v63 =	vperm.xlane v55, v0;
	v48 =	vperm.xlane v45, v0  }
0x37: {  	v49 =	vperm.xlane v46, v0;
	v50 =	vperm.xlane v47, v0  }
0x38: {  	v51 =	vperm.xlane v60, v0;
	v53 =	vperm.xlane v62, v0;
	v12 =	vsel vm0, v4, v6  }
0x39: {  	v6 =	vperm.xlane v9, v0;
	v4 =	vperm.xlane v4, v0;
	v23 =	vsel vm0, v23, v9  }
0x3a: {  	v27 =	vsel vm0, v27, v26;
	v24 =	vsel vm0, v24, v38;
	v29 =	vsel vm0, v41, v29  }
0x3b: {  	v16 =	vld [tilespmem:s23+$0x500];
	v31 =	vsel vm0, v31, v44;
	v26 =	vperm.xlane v26, v0;
	v32 =	vsel vm0, v42, v32  }
0x3c: {  	v17 =	vld [tilespmem:s23+$0x600];
	v35 =	vsel vm0, v35, v57;
	v36 =	vsel vm0, v56, v36;
	v38 =	vsel vm0, v58, v40  }
0x3d: {  	v10 =	vld [tilespmem:s23+$0x200];
	v37 =	vsel vm0, v37, v59;
	v8 =	vperm.xlane v12, v1;
	v52 =	vperm.xlane v31, v1  }
0x3e: {  	v14 =	vld [tilespmem:s23+$0x380];
	v40 =	vsel vm0, v50, v60;
	v54 =	vperm.xlane v24, v1;
	v56 =	vperm.xlane v32, v1  }
0x3f: {  	v41 =	vsel vm0, v47, v51;
	v57 =	vperm.xlane v29, v1;
	v58 =	vperm.xlane v35, v1  }
0x40: {  	v59 =	vperm.xlane v36, v1;
	v6 =	vsel vm0, v7, v6;
	v25 =	vsel vm0, v4, v5  }
0x41: {  	v4 =	vperm.xlane v16, v0;
	v5 =	vperm.xlane v17, v0;
	v19 =	vsel vm0, v19, v26  }
0x42: {  	v22 =	vld [tilespmem:s23+$0x580];
	v26 =	vsel vm0, v45, v49;
	v49 =	vperm.xlane v38, v1;
	v20 =	vperm.xlane v6, v1  }
0x43: {  	v13 =	vld [tilespmem:s23+$0x300];
	v6 =	vsel vm1, v8, v6;
	v8 =	vsel vm0, v10, v18;
	v18 =	vperm.xlane v14, v0  }
0x44: {  	v15 =	vld [tilespmem:s23+$0x400];
	v10 =	vperm.xlane v10, v0;
	v9 =	vperm.xlane v25, v1;
	v24 =	vsel vm1, v24, v52  }
0x45: {  	v50 =	vperm.xlane v26, v1;
	v31 =	vsel vm1, v54, v31;
	v29 =	vsel vm1, v29, v56  }
0x46: {  	v32 =	vsel vm1, v57, v32;
	v38 =	vsel vm1, v59, v38;
	v59 =	vperm.xlane v19, v1  }
0x47: {  	v21 =	vld [tilespmem:s23+$0x480];
	v33 =	vsel vm0, v4, v22;
	v22 =	vperm.xlane v22, v0;
	v54 =	vperm.xlane v8, v1  }
0x48: {  	v36 =	vsel vm1, v36, v49;
	v7 =	vsel vm1, v12, v20;
	v12 =	vsel vm0, v13, v18  }
0x49: {  	v13 =	vperm.xlane v13, v0;
	v18 =	vperm.xlane v15, v0;
	v30 =	vsel vm0, v10, v11  }
0x4a: {  	v9 =	vsel vm1, v9, v23;
	v23 =	vperm.xlane v23, v1;
	v10 =	vperm.xlane v30, v1  }
0x4b: {  	v4 =	vperm.xlane v9, v2;
	v16 =	vsel vm0, v16, v22;
	v22 =	vsel vm0, v43, v63  }
0x4c: {  	v20 =	vld [tilespmem:s23+$0x680];
	v63 =	vperm.xlane v12, v1;
	v18 =	vsel vm0, v18, v21;
	v21 =	vperm.xlane v21, v0  }
0x4d: {  	v14 =	vsel vm0, v13, v14;
	v45 =	vperm.xlane v22, v1;
	v57 =	vperm.xlane v16, v1  }
0x4e: {  	v22 =	vsel vm1, v22, v50;
	v23 =	vsel vm1, v25, v23;
	v11 =	vperm.xlane v18, v1  }
0x4f: {  	v13 =	vsel vm1, v10, v14;
	v14 =	vperm.xlane v14, v1;
	v25 =	vperm.xlane v22, v2  }
0x50: {  	v4 =	vsel vm2, v4, v13;
	v15 =	vsel vm0, v15, v21;
	v45 =	vsel vm1, v45, v26  }
0x51: {  	v13 =	vperm.xlane v13, v2;
	v34 =	vsel vm0, v5, v20;
	v39 =	vperm.xlane v4, v3  }
0x52: {  	v10 =	vsel vm1, v11, v33;
	v20 =	vperm.xlane v20, v0;
	v33 =	vperm.xlane v33, v1  }
0x53: {  	v14 =	vsel vm1, v30, v14;
	v47 =	vsel vm1, v15, v57;
	v5 =	vperm.xlane v34, v1  }
0x54: {  	v28 =	vperm.xlane v10, v2;
	v17 =	vsel vm0, v17, v20;
	v20 =	vsel vm0, v48, v46  }
0x55: {  	v48 =	vperm.xlane v37, v1;
	v37 =	vsel vm1, v58, v37;
	v58 =	vperm.xlane v15, v1  }
0x56: {  	v21 =	vld [tilespmem:s20+$0x780];
	v46 =	vsel vm1, v54, v12;
	v12 =	vperm.xlane v24, v2;
	v15 =	vperm.xlane v36, v2  }
0x57: {  	v33 =	vsel vm1, v18, v33;
	v18 =	vperm.xlane v31, v2;
	v51 =	vperm.xlane v20, v1  }
0x58: {  	v11 =	vsel vm1, v5, v27;
	v26 =	vperm.xlane v17, v1;
	v27 =	vperm.xlane v27, v1  }
0x59: {  	v5 =	vsel vm2, v28, v11;
	v35 =	vsel vm1, v35, v48;
	v43 =	vsel vm1, v58, v16  }
0x5a: {  	v48 =	vsel vm1, v17, v59;
	v17 =	vperm.xlane v29, v2;
	v58 =	vperm.xlane v11, v2  }
0x5b: {  	v28 =	vsel vm3, v39, v5;
	v39 =	vsel vm0, v61, v55;
	v55 =	vperm.xlane v21, v0  }
0x5c: {  	v21 =	vsel vm0, v53, v21;
	v61 =	vperm.xlane v41, v1;
	v49 =	vsel vm1, v26, v19  }
0x5d: {  	v16 =	vsel vm2, v12, v35;
	v12 =	vperm.xlane v38, v2;
	v19 =	vperm.xlane v32, v2  }
0x5e: {  	v34 =	vsel vm1, v34, v27;
	v60 =	vperm.xlane v39, v1;
	v53 =	vperm.xlane v21, v1  }
0x5f: {  	v39 =	vsel vm1, v39, v51;
	v56 =	vperm.xlane v34, v2;
	v57 =	vperm.xlane v49, v2  }
0x60: {  	v44 =	vsel vm0, v62, v55;
	v62 =	vperm.xlane v40, v1;
	v26 =	vperm.xlane v39, v2  }
0x61: {  	v10 =	vsel vm2, v10, v58;
	v55 =	vperm.xlane v47, v2;
	v52 =	vperm.xlane v44, v1  }
0x62: {  	v42 =	vsel vm1, v61, v44;
	v44 =	vsel vm1, v8, v63;
	v8 =	vperm.xlane v35, v2  }
0x63: {  	v35 =	vsel vm2, v29, v15;
	v15 =	vsel vm2, v17, v36;
	v36 =	vperm.xlane v45, v2  }
0x64: {  	v29 =	vsel vm2, v32, v12;
	v12 =	vsel vm2, v19, v38;
	v19 =	vperm.xlane v14, v2  }
0x65: {  	v20 =	vsel vm1, v60, v20;
	v38 =	vperm.xlane v23, v2;
	v60 =	vperm.xlane v6, v2  }
0x66: {  	v40 =	vsel vm1, v40, v53;
	v61 =	vperm.xlane v48, v2;
	v63 =	vperm.xlane v43, v2  }
0x67: {  	v21 =	vsel vm1, v62, v21;
	v17 =	vperm.xlane v40, v2;
	v30 =	vperm.xlane v42, v2  }
0x68: {  	v32 =	vperm.xlane v44, v2;
	v26 =	vsel vm2, v26, v40;
	v62 =	vperm.xlane v33, v2  }
0x69: {  	v41 =	vsel vm1, v41, v52;
	v50 =	vsel vm2, v24, v8;
	v8 =	vperm.xlane v37, v2  }
0x6a: {  	v52 =	vperm.xlane v7, v2;
	v19 =	vsel vm2, v23, v19;
	v23 =	vsel vm2, v33, v56  }
0x6b: {  	v24 =	vperm.xlane v41, v2;
	v27 =	vsel vm2, v25, v41;
	v39 =	vsel vm2, v39, v17  }
0x6c: {  	v25 =	vsel vm2, v36, v42;
	v17 =	vsel vm2, v9, v13;
	v13 =	vsel vm2, v62, v34  }
0x6d: {  	v9 =	vsel vm2, v63, v49;
	v59 =	vperm.xlane v50, v3;
	v36 =	vperm.xlane v29, v3  }
0x6e: {  	v34 =	vperm.xlane v16, v3;
	v51 =	vsel vm2, v31, v8;
	v8 =	vsel vm2, v18, v37  }
0x6f: {  	v18 =	vperm.xlane v21, v2;
	v37 =	vperm.xlane v20, v2;
	v31 =	vsel vm2, v45, v30  }
0x70: {  	v11 =	vsel vm2, v52, v44;
	v53 =	vsel vm2, v22, v24;
	v22 =	vperm.xlane v46, v2  }
0x71: {  	s29 =	simm.s32 $0x0;
	s22 =	sshll.u32 s22, $0x9;
	s20 =	sshll.u32 s19, $0xB;
	v62 =	vperm.xlane v31, v3;
	v30 =	vsel vm2, v20, v18;
	v24 =	vsel vm2, v37, v21  }
0x72: {  	s30 =	sand.u32 $0xFFFFFFF0, s29;
	s21 =	sshll.u32 s21, $0x9;
	s31 =	sadd.s32 s20, s22;
	v20 =	vsel vm2, v7, v32;
	v7 =	vsel vm2, v38, v14;
	v21 =	vsel vm2, v47, v61  }
0x73: {  	s21 =	sadd.s32 s20, s21;
	s19 =	sadd.s32 s30, s31;
	v14 =	vsel vm2, v55, v48;
	v61 =	vperm.xlane v35, v3;
	v33 =	vsel vm3, v59, v53  }
0x74: {  	s22 =	sadd.s32 s30, s21;
	[tilespmem:s19+$0x9580] =	vst v28;
	v18 =	vsel vm2, v6, v22;
	v22 =	vsel vm2, v43, v57;
	v57 =	vperm.xlane v53, v3  }
0x75: {  	v6 =	vsel vm2, v60, v46;
	v60 =	vperm.xlane v39, v3;
	[tilespmem:s22+$0x9200] =	vst v33;
	v63 =	vsel vm3, v61, v39  }
0x76: {  	v38 =	vperm.xlane v51, v3;
	v32 =	vperm.xlane v26, v3;
	v28 =	vsel vm3, v50, v57;
	[tilespmem:s22+$0x9280] =	vst v63  }
0x77: {  	v37 =	vperm.xlane v30, v3;
	v33 =	vperm.xlane v15, v3;
	[tilespmem:s22+$0x8200] =	vst v28;
	v28 =	vsel vm3, v35, v60  }
0x78: {  	p0 =	por p1, p1;
	s21 =	simm.s32 $0x0;
	v39 =	vsel vm3, v51, v62;
	v35 =	vperm.xlane v27, v3;
	[tilespmem:s22+$0x8280] =	vst v28;
	v28 =	vperm.xlane v25, v3  }
.LBB2_4:
0x79: {  	s21 =	sadd.s32 $0x2, s21;
	v31 =	vsel vm3, v38, v31;
	v38 =	vperm.xlane v8, v3;
	v40 =	vperm.xlane v24, v3;
	[tilespmem:s22+$0x8300] =	vst v39  }
0x7a: {  	v29 =	vsel vm3, v29, v37;
	v37 =	vperm.xlane v12, v3;
	s18 =	sadd.s32 $0x20, s18;
	s23 =	sshll.u32 s21, $0x8;
	p1 =	slt.u32 s21, $0x3E;
	[tilespmem:s22+$0x9300] =	vst v31;
	v31 =	vperm.xlane v21, v3  }
0x7b: {  	v30 =	vsel vm3, v36, v30;
	v36 =	vperm.xlane v23, v3;
	s24 =	sand.u32 $0x60, s18;
	s23 =	sand.u32 $0x3FFFF800, s23;
	[tilespmem:s22+$0x8380] =	vst v29;
	v29 =	vperm.xlane v20, v3  }
0x7c: {  	v16 =	vsel vm3, v16, v35;
	v35 =	vperm.xlane v22, v3;
	s28 =	sshll.u32 s24, $0x9;
	s25 =	sor.u32 $0x10, s24;
	s26 =	sor.u32 $0x200, s23;
	[tilespmem:s22+$0x9380] =	vst v30;
	v30 =	vperm.xlane v19, v3  }
0x7d: {  	v27 =	vsel vm3, v34, v27;
	v34 =	vperm.xlane v10, v3;
	s23 =	sor.u32 s24, s26;
	s24 =	sadd.s32 s20, s28;
	s26 =	sor.u32 s25, s26;
	[tilespmem:s22+$0x8400] =	vst v16;
	v16 =	vperm.xlane v18, v3  }
0x7e: {  	v15 =	vsel vm3, v15, v32;
	v32 =	vperm.xlane v14, v3;
	v39 =	vld [tilespmem:s26+$0x0];
	[tilespmem:s22+$0x9400] =	vst v27;
	v27 =	vperm.xlane v17, v3  }
0x7f: {  	v26 =	vsel vm3, v33, v26;
	v33 =	vperm.xlane v13, v3;
	v41 =	vld [tilespmem:s26+$0x80];
	[tilespmem:s22+$0x8480] =	vst v15;
	v15 =	vperm.xlane v11, v3  }
0x80: {  	v8 =	vsel vm3, v8, v28;
	v28 =	vperm.xlane v9, v3;
	v42 =	vld [tilespmem:s26+$0x100];
	[tilespmem:s22+$0x9480] =	vst v26;
	v26 =	vperm.xlane v7, v3  }
0x81: {  	v25 =	vsel vm3, v38, v25;
	v38 =	vperm.xlane v6, v3;
	v43 =	vld [tilespmem:s26+$0x180];
	[tilespmem:s22+$0x8500] =	vst v8;
	v8 =	vperm.xlane v5, v3  }
0x82: {  	v12 =	vsel vm3, v12, v40;
	v24 =	vsel vm3, v37, v24;
	v20 =	vsel vm3, v20, v31;
	v5 =	vld [tilespmem:s26+$0x200];
	[tilespmem:s22+$0x9500] =	vst v25  }
0x83: {  	v21 =	vsel vm3, v29, v21;
	v31 =	vld [tilespmem:s26+$0x280];
	[tilespmem:s22+$0x8580] =	vst v12;
	v12 =	vsel vm3, v19, v36;
	v19 =	vsel vm3, v30, v23  }
0x84: {  	v18 =	vsel vm3, v18, v35;
	v16 =	vsel vm3, v16, v22;
	v29 =	vld [tilespmem:s26+$0x300];
	v23 =	vperm.xlane v41, v0;
	[tilespmem:s22+$0x9580] =	vst v24  }
0x85: {  	v17 =	vsel vm3, v17, v34;
	v11 =	vsel vm3, v11, v32;
	v10 =	vsel vm3, v27, v10;
	v24 =	vld [tilespmem:s26+$0x380];
	[tilespmem:s19+$0x8200] =	vst v20  }
0x86: {  	v30 =	vsel vm3, v15, v14;
	v22 =	vld [tilespmem:s26+$0x400];
	v20 =	vsel vm0, v39, v23;
	v27 =	vperm.xlane v43, v0;
	[tilespmem:s19+$0x8280] =	vst v12  }
0x87: {  	v7 =	vsel vm3, v7, v33;
	v13 =	vsel vm3, v26, v13;
	v23 =	vld [tilespmem:s26+$0x500];
	v12 =	vperm.xlane v20, v1;
	[tilespmem:s19+$0x8300] =	vst v18  }
0x88: {  	v18 =	vsel vm3, v6, v28;
	v25 =	vld [tilespmem:s26+$0x600];
	v14 =	vsel vm0, v42, v27;
	v15 =	vperm.xlane v31, v0;
	[tilespmem:s19+$0x8380] =	vst v17  }
0x89: {  	v27 =	vsel vm3, v38, v9;
	v26 =	vld [tilespmem:s26+$0x700];
	v17 =	vperm.xlane v14, v1;
	v6 =	vsel vm1, v12, v14;
	[tilespmem:s19+$0x8400] =	vst v11  }
0x8a: {  	v9 =	vperm.xlane v39, v0;
	v28 =	vld [tilespmem:s26+$0x480];
	v12 =	vsel vm0, v5, v15;
	v11 =	vperm.xlane v24, v0;
	[tilespmem:s19+$0x8480] =	vst v7  }
0x8b: {  	v33 =	vperm.xlane v42, v0;
	v5 =	vperm.xlane v5, v0;
	v32 =	vld [tilespmem:s26+$0x580];
	v7 =	vsel vm1, v20, v17;
	[tilespmem:s19+$0x8500] =	vst v18  }
0x8c: {  	v18 =	vperm.xlane v22, v0;
	v34 =	vld [tilespmem:s26+$0x680];
	v14 =	vsel vm0, v29, v11;
	v11 =	vperm.xlane v29, v0;
	[tilespmem:s19+$0x9200] =	vst v21  }
0x8d: {  	v15 =	vsel vm0, v9, v41;
	v35 =	vperm.xlane v23, v0;
	v29 =	vld [tilespmem:s23+$0x0];
	v36 =	vperm.xlane v25, v0;
	[tilespmem:s19+$0x9280] =	vst v19  }
0x8e: {  	v20 =	vsel vm0, v33, v43;
	v9 =	vperm.xlane v15, v1;
	v37 =	vld [tilespmem:s26+$0x780];
	v19 =	vperm.xlane v26, v0;
	[tilespmem:s19+$0x9300] =	vst v16  }
0x8f: {  	v17 =	vsel vm0, v5, v31;
	v21 =	vsel vm0, v11, v24;
	v33 =	vld [tilespmem:s23+$0x80];
	v16 =	vsel vm0, v18, v28;
	[tilespmem:s19+$0x9380] =	vst v10  }
0x90: {  	v9 =	vsel vm1, v9, v20;
	v5 =	vperm.xlane v17, v1;
	v31 =	vld [tilespmem:s23+$0x100];
	v10 =	vperm.xlane v16, v1;
	[tilespmem:s19+$0x9400] =	vst v30  }
0x91: {  	v24 =	vsel vm0, v35, v32;
	v35 =	vperm.xlane v9, v2;
	v30 =	vld [tilespmem:s23+$0x180];
	v18 =	vsel vm0, v36, v34;
	[tilespmem:s19+$0x9480] =	vst v13  }
0x92: {  	v11 =	vsel vm1, v5, v21;
	v36 =	vld [tilespmem:s23+$0x200];
	v10 =	vsel vm1, v10, v24;
	v5 =	vperm.xlane v18, v1;
	[tilespmem:s19+$0x9500] =	vst v27  }
0x93: {  	v27 =	vld [tilespmem:s23+$0x280];
	v38 =	vsel vm0, v19, v37;
	v19 =	vsel vm2, v35, v11;
	v35 =	vperm.xlane v10, v2  }
0x94: {  	s25 =	sshll.u32 s25, $0x9;
	s22 =	sshll.u32 s21, $0x1;
	v39 =	vld [tilespmem:s23+$0x300];
	v40 =	vperm.xlane v33, v0;
	v13 =	vsel vm1, v5, v38;
	v41 =	vperm.xlane v19, v3  }
0x95: {  	s25 =	sadd.s32 s20, s25;
	s26 =	sand.u32 $0xFFFFFFF0, s22;
	v43 =	vperm.xlane v29, v0;
	v42 =	vld [tilespmem:s23+$0x380];
	v44 =	vperm.xlane v31, v0;
	v5 =	vsel vm2, v35, v13  }
0x96: {  	s22 =	sadd.s32 s26, s24;
	v28 =	vperm.xlane v28, v0;
	s24 =	sadd.s32 s26, s25;
	v35 =	vld [tilespmem:s23+$0x400];
	v45 =	vperm.xlane v30, v0;
	v41 =	vsel vm3, v41, v5  }
0x97: {  	v32 =	vperm.xlane v32, v0;
	v29 =	vsel vm0, v29, v40;
	v46 =	vld [tilespmem:s23+$0x480];
	v40 =	vperm.xlane v36, v0;
	[tilespmem:s24+$0x9580] =	vst v41  }
0x98: {  	v34 =	vperm.xlane v34, v0;
	v33 =	vsel vm0, v43, v33;
	v41 =	vld [tilespmem:s23+$0x500];
	v43 =	vperm.xlane v27, v0  }
0x99: {  	v37 =	vperm.xlane v37, v0;
	v31 =	vsel vm0, v31, v45;
	v47 =	vld [tilespmem:s23+$0x580];
	v45 =	vperm.xlane v39, v0  }
0x9a: {  	v30 =	vsel vm0, v44, v30;
	v48 =	vld [tilespmem:s23+$0x600];
	v36 =	vsel vm0, v36, v43;
	v43 =	vperm.xlane v42, v0  }
0x9b: {  	v27 =	vsel vm0, v40, v27;
	v44 =	vld [tilespmem:s23+$0x680];
	v40 =	vsel vm0, v45, v42;
	v42 =	vperm.xlane v35, v0  }
0x9c: {  	v22 =	vsel vm0, v22, v28;
	v45 =	vld [tilespmem:s23+$0x700];
	v39 =	vsel vm0, v39, v43;
	v43 =	vperm.xlane v46, v0  }
0x9d: {  	v23 =	vsel vm0, v23, v32;
	v28 =	vld [tilespmem:s23+$0x780];
	v42 =	vsel vm0, v42, v46;
	v46 =	vperm.xlane v41, v0  }
0x9e: {  	v25 =	vsel vm0, v25, v34;
	v32 =	vsel vm0, v35, v43;
	v35 =	vperm.xlane v47, v0  }
0x9f: {  	v26 =	vsel vm0, v26, v37;
	v34 =	vsel vm0, v46, v47;
	v43 =	vperm.xlane v48, v0  }
0xa0: {  	v35 =	vsel vm0, v41, v35;
	v37 =	vperm.xlane v44, v0;
	v41 =	vperm.xlane v31, v1  }
0xa1: {  	v46 =	vperm.xlane v29, v1;
	v43 =	vsel vm0, v43, v44;
	v44 =	vperm.xlane v45, v0  }
0xa2: {  	v37 =	vsel vm0, v48, v37;
	v47 =	vperm.xlane v28, v0;
	v48 =	vperm.xlane v30, v1  }
0xa3: {  	v49 =	vperm.xlane v39, v1;
	v28 =	vsel vm0, v44, v28;
	v44 =	vperm.xlane v33, v1  }
0xa4: {  	v50 =	vperm.xlane v40, v1;
	v45 =	vsel vm0, v45, v47;
	v47 =	vperm.xlane v36, v1  }
0xa5: {  	v51 =	vperm.xlane v35, v1;
	v29 =	vsel vm1, v29, v41;
	v41 =	vperm.xlane v27, v1  }
0xa6: {  	v52 =	vperm.xlane v34, v1;
	v31 =	vsel vm1, v46, v31;
	v46 =	vperm.xlane v32, v1  }
0xa7: {  	v33 =	vsel vm1, v33, v48;
	v48 =	vperm.xlane v42, v1;
	v53 =	vperm.xlane v45, v1  }
0xa8: {  	v54 =	vperm.xlane v28, v1;
	v30 =	vsel vm1, v44, v30;
	v44 =	vperm.xlane v37, v1  }
0xa9: {  	v20 =	vperm.xlane v20, v1;
	v36 =	vsel vm1, v36, v49;
	v49 =	vperm.xlane v43, v1  }
0xaa: {  	v55 =	vperm.xlane v12, v1;
	v39 =	vsel vm1, v47, v39;
	v47 =	vperm.xlane v14, v1  }
0xab: {  	v21 =	vperm.xlane v21, v1;
	v27 =	vsel vm1, v27, v50;
	v50 =	vperm.xlane v23, v1  }
0xac: {  	v24 =	vperm.xlane v24, v1;
	v40 =	vsel vm1, v41, v40;
	v41 =	vperm.xlane v22, v1  }
0xad: {  	v56 =	vperm.xlane v25, v1;
	v32 =	vsel vm1, v32, v51;
	v51 =	vperm.xlane v26, v1  }
0xae: {  	v38 =	vperm.xlane v38, v1;
	v35 =	vsel vm1, v46, v35;
	v42 =	vsel vm1, v42, v52  }
0xaf: {  	v34 =	vsel vm1, v48, v34;
	v37 =	vsel vm1, v37, v53;
	v44 =	vsel vm1, v44, v45  }
0xb0: {  	v43 =	vsel vm1, v43, v54;
	v28 =	vsel vm1, v49, v28;
	v45 =	vsel vm1, v15, v20  }
0xb1: {  	v17 =	vsel vm1, v17, v21;
	v14 =	vsel vm1, v55, v14;
	v46 =	vsel vm1, v12, v47  }
0xb2: {  	v21 =	vsel vm1, v22, v50;
	v22 =	vsel vm1, v41, v23;
	v23 =	vsel vm1, v16, v24  }
0xb3: {  	v38 =	vsel vm1, v18, v38;
	v41 =	vsel vm1, v25, v51;
	v47 =	vsel vm1, v56, v26  }
0xb4: {  	v8 =	vsel vm3, v4, v8;
	v4 =	vmovc v19;
	v15 =	vperm.xlane v29, v2;
	v12 =	vperm.xlane v36, v2  }
0xb5: {  	v18 =	vperm.xlane v27, v2;
	v19 =	vperm.xlane v33, v2;
	[tilespmem:s19+$0x8580] =	vst v8;
	s19 =	smov.u32 s24  }
0xb6: {  	v48 =	vsel vm2, v29, v12;
	v12 =	vperm.xlane v31, v2;
	v8 =	vperm.xlane v39, v2  }
0xb7: {  	v24 =	vperm.xlane v30, v2;
	v20 =	vperm.xlane v40, v2;
	v16 =	vsel vm2, v15, v36  }
0xb8: {  	v33 =	vsel vm2, v33, v18;
	v25 =	vperm.xlane v32, v2;
	v18 =	vperm.xlane v37, v2  }
0xb9: {  	v26 =	vperm.xlane v42, v2;
	v15 =	vsel vm2, v19, v27;
	v19 =	vperm.xlane v43, v2  }
0xba: {  	v36 =	vperm.xlane v35, v2;
	v49 =	vsel vm2, v31, v8;
	v31 =	vperm.xlane v44, v2  }
0xbb: {  	v50 =	vperm.xlane v34, v2;
	v8 =	vsel vm2, v12, v39;
	v39 =	vperm.xlane v28, v2  }
0xbc: {  	v51 =	vperm.xlane v7, v2;
	v29 =	vsel vm2, v30, v20;
	v20 =	vperm.xlane v46, v2  }
0xbd: {  	v52 =	vperm.xlane v45, v2;
	v12 =	vsel vm2, v24, v40;
	v40 =	vperm.xlane v17, v2  }
0xbe: {  	v53 =	vperm.xlane v6, v2;
	v32 =	vsel vm2, v32, v18;
	v18 =	vperm.xlane v14, v2  }
0xbf: {  	v54 =	vperm.xlane v41, v2;
	v27 =	vsel vm2, v25, v37;
	v37 =	vperm.xlane v11, v2  }
0xc0: {  	v55 =	vperm.xlane v21, v2;
	v56 =	vperm.xlane v38, v2;
	v42 =	vsel vm2, v42, v19  }
0xc1: {  	v57 =	vperm.xlane v47, v2;
	v26 =	vsel vm2, v26, v43;
	v43 =	vperm.xlane v23, v2  }
0xc2: {  	v58 =	vperm.xlane v13, v2;
	v31 =	vsel vm2, v35, v31;
	v35 =	vperm.xlane v22, v2  }
0xc3: {  	v25 =	vsel vm2, v36, v44;
	v24 =	vsel vm2, v50, v28;
	v30 =	vsel vm2, v34, v39  }
0xc4: {  	v11 =	vsel vm2, v51, v46;
	v20 =	vsel vm2, v7, v20;
	v19 =	vsel vm2, v45, v40  }
0xc5: {  	v7 =	vsel vm2, v52, v17;
	v18 =	vsel vm2, v6, v18;
	v6 =	vsel vm2, v53, v14  }
0xc6: {  	v21 =	vsel vm2, v21, v54;
	v14 =	vsel vm2, v55, v41;
	v17 =	vsel vm2, v9, v37  }
0xc7: {  	v23 =	vsel vm2, v23, v56;
	v13 =	vsel vm2, v43, v38;
	v22 =	vsel vm2, v22, v57  }
0xc8: {  	v10 =	vsel vm2, v10, v58;
	v28 =	vperm.xlane v32, v3;
	v9 =	vsel vm2, v35, v47  }
0xc9: {  	v34 =	vperm.xlane v48, v3;
	v35 =	vperm.xlane v42, v3  }
.Ltmp0:
0xca: {  	v28 =	vsel vm3, v48, v28;
	v39 =	vperm.xlane v33, v3;
	v40 =	vperm.xlane v31, v3;
	(pc) =	sbr.rel @p1 .LBB2_4-.Ltmp0, $4  }
0xcb: {  	v38 =	vperm.xlane v49, v3;
	v37 =	vperm.xlane v30, v3;
	v32 =	vsel vm3, v34, v32;
	[tilespmem:s22+$0x8200] =	vst v28  }
0xcc: {  	v36 =	vperm.xlane v29, v3;
	v28 =	vsel vm3, v33, v35;
	v35 =	vperm.xlane v27, v3;
	[tilespmem:s22+$0x9200] =	vst v32  }
0xcd: {  	v41 =	vsel vm3, v39, v42;
	v34 =	vperm.xlane v16, v3;
	v32 =	vperm.xlane v26, v3;
	[tilespmem:s22+$0x8280] =	vst v28  }
0xce: {  	v39 =	vsel vm3, v49, v40;
	v33 =	vperm.xlane v15, v3;
	v28 =	vperm.xlane v25, v3;
	[tilespmem:s22+$0x9280] =	vst v41  }
0xcf: {  	v31 =	vsel vm3, v38, v31;
	[tilespmem:s22+$0x8300] =	vst v39  }
0xd0: {  	v29 =	vsel vm3, v29, v37;
	[tilespmem:s22+$0x9300] =	vst v31  }
0xd1: {  	v30 =	vsel vm3, v36, v30;
	[tilespmem:s22+$0x8380] =	vst v29  }
0xd2: {  	v16 =	vsel vm3, v16, v35;
	[tilespmem:s22+$0x9380] =	vst v30  }
0xd3: {  	v27 =	vsel vm3, v34, v27;
	[tilespmem:s22+$0x8400] =	vst v16  }
0xd4: {  	v15 =	vsel vm3, v15, v32;
	[tilespmem:s22+$0x9400] =	vst v27  }
0xd5: {  	v5 =	vperm.xlane v5, v3;
	v26 =	vsel vm3, v33, v26;
	[tilespmem:s22+$0x8480] =	vst v15  }
0xd6: {  	v16 =	vperm.xlane v8, v3;
	v8 =	vsel vm3, v8, v28;
	[tilespmem:s22+$0x9480] =	vst v26  }
0xd7: {  	v15 =	vperm.xlane v24, v3;
	[tilespmem:s22+$0x8500] =	vst v8;
	v4 =	vsel vm3, v4, v5  }
0xd8: {  	v26 =	vperm.xlane v12, v3;
	v16 =	vsel vm3, v16, v25;
	[tilespmem:s19+$0x8580] =	vst v4  }
0xd9: {  	v8 =	vperm.xlane v21, v3;
	v12 =	vsel vm3, v12, v15;
	[tilespmem:s22+$0x9500] =	vst v16  }
0xda: {  	v15 =	vperm.xlane v23, v3;
	v16 =	vsel vm3, v26, v24;
	[tilespmem:s22+$0x8580] =	vst v12  }
0xdb: {  	v12 =	vperm.xlane v22, v3;
	v8 =	vsel vm3, v20, v8;
	[tilespmem:s22+$0x9580] =	vst v16  }
0xdc: {  	v16 =	vperm.xlane v10, v3;
	v15 =	vsel vm3, v19, v15;
	[tilespmem:s19+$0x8200] =	vst v8  }
0xdd: {  	v8 =	vperm.xlane v14, v3;
	v12 =	vsel vm3, v18, v12;
	[tilespmem:s19+$0x8280] =	vst v15  }
0xde: {  	v15 =	vperm.xlane v13, v3;
	v16 =	vsel vm3, v17, v16;
	[tilespmem:s19+$0x8300] =	vst v12  }
0xdf: {  	v12 =	vperm.xlane v9, v3;
	v8 =	vsel vm3, v11, v8;
	[tilespmem:s19+$0x8380] =	vst v16  }
0xe0: {  	v16 =	vperm.xlane v20, v3;
	v15 =	vsel vm3, v7, v15;
	[tilespmem:s19+$0x8400] =	vst v8  }
0xe1: {  	v8 =	vperm.xlane v19, v3;
	v12 =	vsel vm3, v6, v12;
	[tilespmem:s19+$0x8480] =	vst v15  }
0xe2: {  	v7 =	vperm.xlane v7, v3;
	v16 =	vsel vm3, v16, v21;
	[tilespmem:s19+$0x8500] =	vst v12  }
0xe3: {  	v15 =	vperm.xlane v18, v3;
	v8 =	vsel vm3, v8, v23;
	[tilespmem:s19+$0x9200] =	vst v16  }
0xe4: {  	v6 =	vperm.xlane v6, v3;
	v7 =	vsel vm3, v7, v13;
	[tilespmem:s19+$0x9280] =	vst v8  }
0xe5: {  	v12 =	vperm.xlane v17, v3;
	v15 =	vsel vm3, v15, v22;
	[tilespmem:s19+$0x9480] =	vst v7  }
0xe6: {  	v11 =	vperm.xlane v11, v3;
	v6 =	vsel vm3, v6, v9;
	[tilespmem:s19+$0x9300] =	vst v15  }
0xe7: {  	v8 =	vsel vm3, v12, v10;
	[tilespmem:s19+$0x9500] =	vst v6  }
0xe8: {  	v10 =	vsel vm3, v11, v14;
	[tilespmem:s19+$0x9380] =	vst v8  }
0xe9: {  	s18 =	simm.s32 @p0 $0x80;
	s20 =	simm.s32 @p0 $0x200;
	[tilespmem:s19+$0x9400] =	vst v10;
	s19 =	simm.s32 @p0 $0x100  }
0xea: {  	[tilespmem:s20], [sflag:$0x1] =	stream.indirect.gather @p0 [hbm4b:s0+s18], $0x80, s19, s18, $0xb8;
	[tilespmem:$0x18200] =	vst v63  }
0xeb: {  	s25 =	simm.s32 $0x0;
	s18 =	simm.s32 $0x0  }
0xec: {  	s19 =	sand.u32 $0x3FFFF800, s25;
	_ =	swait.ge [sflag:s12], $0x4000;
	s26 =	sand.u32 $0x60, s18  }
0xed: {  	s19 =	sadd.s32 $0x4200, s19;
	[sflag:s12] =	ssyncset.done $0x0;
	s21 =	sor.u32 $0x10, s26  }
0xee: {  	[sflag:s12] =	ssyncadd.s32 $0xFFFFC000;
	s28 =	sor.u32 s21, s19  }
0xef: {  	v4 =	vld [tilespmem:s28+$0x0]  }
0xf0: {  	v5 =	vld [tilespmem:s28+$0x80]  }
0xf1: {  	v7 =	vld [tilespmem:s28+$0x100]  }
0xf2: {  	v9 =	vld [tilespmem:s28+$0x180]  }
0xf3: {  	v11 =	vld [tilespmem:s28+$0x280]  }
0xf4: {  	s19 =	sor.u32 s26, s19;
	v19 =	vld [tilespmem:s28+$0x700]  }
0xf5: {  	v24 =	vld [tilespmem:s19+$0x0]  }
0xf6: {  	v29 =	vld [tilespmem:s19+$0x80]  }
0xf7: {  	v31 =	vld [tilespmem:s19+$0x100]  }
0xf8: {  	v49 =	vld [tilespmem:s19+$0x180]  }
0xf9: {  	v50 =	vld [tilespmem:s19+$0x200]  }
0xfa: {  	v51 =	vld [tilespmem:s19+$0x280]  }
0xfb: {  	v52 =	vld [tilespmem:s19+$0x300]  }
0xfc: {  	v40 =	vld [tilespmem:s19+$0x380]  }
0xfd: {  	v43 =	vld [tilespmem:s19+$0x400];
	v6 =	vperm.xlane v5, v0;
	v18 =	vperm.xlane v11, v0  }
0xfe: {  	v55 =	vld [tilespmem:s19+$0x480];
	v23 =	vperm.xlane v7, v0;
	v27 =	vperm.xlane v19, v0  }
0xff: {  	v45 =	vld [tilespmem:s19+$0x500];
	v53 =	vperm.xlane v29, v0;
	v41 =	vperm.xlane v24, v0  }
0x100: {  	v26 =	vld [tilespmem:s28+$0x780];
	v42 =	vperm.xlane v31, v0;
	v44 =	vperm.xlane v49, v0  }
0x101: {  	v46 =	vld [tilespmem:s19+$0x580];
	v56 =	vperm.xlane v50, v0;
	v57 =	vperm.xlane v51, v0  }
0x102: {  	v47 =	vld [tilespmem:s19+$0x600];
	v58 =	vperm.xlane v52, v0;
	v59 =	vperm.xlane v40, v0  }
0x103: {  	v60 =	vld [tilespmem:s19+$0x680];
	v61 =	vperm.xlane v43, v0;
	v63 =	vperm.xlane v55, v0  }
0x104: {  	v62 =	vld [tilespmem:s19+$0x700];
	v48 =	vperm.xlane v45, v0;
	v12 =	vsel vm0, v4, v6;
	v6 =	vperm.xlane v9, v0  }
0x105: {  	v4 =	vperm.xlane v4, v0;
	v23 =	vsel vm0, v23, v9;
	v27 =	vsel vm0, v27, v26  }
0x106: {  	v24 =	vsel vm0, v24, v53;
	v29 =	vsel vm0, v41, v29;
	v31 =	vsel vm0, v31, v44  }
0x107: {  	v16 =	vld [tilespmem:s28+$0x500];
	v26 =	vperm.xlane v26, v0;
	v32 =	vsel vm0, v42, v49;
	v35 =	vsel vm0, v50, v57  }
0x108: {  	v17 =	vld [tilespmem:s28+$0x600];
	v36 =	vsel vm0, v56, v51;
	v49 =	vperm.xlane v46, v0;
	v50 =	vperm.xlane v47, v0  }
0x109: {  	v38 =	vsel vm0, v58, v40;
	v51 =	vperm.xlane v60, v0;
	v53 =	vperm.xlane v62, v0  }
0x10a: {  	v10 =	vld [tilespmem:s28+$0x200];
	v37 =	vsel vm0, v52, v59;
	v8 =	vperm.xlane v12, v1;
	v52 =	vperm.xlane v31, v1  }
0x10b: {  	v14 =	vld [tilespmem:s28+$0x380];
	v39 =	vsel vm0, v61, v55;
	v56 =	vperm.xlane v32, v1;
	v57 =	vperm.xlane v29, v1  }
0x10c: {  	v58 =	vperm.xlane v35, v1;
	v59 =	vperm.xlane v36, v1;
	v6 =	vsel vm0, v7, v6  }
0x10d: {  	v25 =	vsel vm0, v4, v5;
	v4 =	vperm.xlane v16, v0;
	v5 =	vperm.xlane v17, v0  }
0x10e: {  	v13 =	vld [tilespmem:s28+$0x300];
	v19 =	vsel vm0, v19, v26;
	v26 =	vsel vm0, v45, v49;
	v49 =	vperm.xlane v38, v1  }
0x10f: {  	v22 =	vld [tilespmem:s28+$0x580];
	v40 =	vsel vm0, v50, v60;
	v60 =	vperm.xlane v39, v1;
	v20 =	vperm.xlane v6, v1  }
0x110: {  	v15 =	vld [tilespmem:s28+$0x400];
	v6 =	vsel vm1, v8, v6;
	v8 =	vsel vm0, v10, v18;
	v18 =	vperm.xlane v14, v0  }
0x111: {  	v41 =	vsel vm0, v47, v51;
	v10 =	vperm.xlane v10, v0;
	v9 =	vperm.xlane v25, v1  }
0x112: {  	v50 =	vperm.xlane v26, v1;
	v29 =	vsel vm1, v29, v56;
	v32 =	vsel vm1, v57, v32  }
0x113: {  	v61 =	vperm.xlane v41, v1;
	v38 =	vsel vm1, v59, v38;
	v59 =	vperm.xlane v19, v1  }
0x114: {  	v21 =	vld [tilespmem:s28+$0x480];
	v33 =	vsel vm0, v4, v22;
	v22 =	vperm.xlane v22, v0;
	v7 =	vsel vm1, v12, v20  }
0x115: {  	v12 =	vsel vm0, v13, v18;
	v13 =	vperm.xlane v13, v0;
	v18 =	vperm.xlane v15, v0  }
0x116: {  	v30 =	vsel vm0, v10, v11;
	v9 =	vsel vm1, v9, v23;
	v23 =	vperm.xlane v23, v1  }
0x117: {  	v36 =	vsel vm1, v36, v49;
	v10 =	vperm.xlane v30, v1;
	v4 =	vperm.xlane v9, v2  }
0x118: {  	v16 =	vsel vm0, v16, v22;
	v22 =	vsel vm0, v43, v63;
	v63 =	vperm.xlane v12, v1  }
0x119: {  	v20 =	vld [tilespmem:s28+$0x680];
	v14 =	vsel vm0, v13, v14;
	v18 =	vsel vm0, v18, v21;
	v21 =	vperm.xlane v21, v0  }
0x11a: {  	v45 =	vperm.xlane v22, v1;
	v57 =	vperm.xlane v16, v1;
	v22 =	vsel vm1, v22, v50  }
0x11b: {  	v23 =	vsel vm1, v25, v23;
	v11 =	vperm.xlane v18, v1;
	v13 =	vsel vm1, v10, v14  }
0x11c: {  	v14 =	vperm.xlane v14, v1;
	v25 =	vperm.xlane v22, v2;
	v4 =	vsel vm2, v4, v13  }
0x11d: {  	v15 =	vsel vm0, v15, v21;
	v45 =	vsel vm1, v45, v26;
	v13 =	vperm.xlane v13, v2  }
0x11e: {  	v34 =	vsel vm0, v5, v20;
	v10 =	vsel vm1, v11, v33;
	v54 =	vperm.xlane v4, v3  }
0x11f: {  	v20 =	vperm.xlane v20, v0;
	v33 =	vperm.xlane v33, v1;
	v14 =	vsel vm1, v30, v14  }
0x120: {  	v21 =	vld [tilespmem:s19+$0x780];
	v47 =	vsel vm1, v15, v57;
	v5 =	vperm.xlane v34, v1;
	v28 =	vperm.xlane v10, v2  }
0x121: {  	v17 =	vsel vm0, v17, v20;
	v20 =	vsel vm0, v48, v46;
	v48 =	vperm.xlane v37, v1  }
0x122: {  	v37 =	vsel vm1, v58, v37;
	v58 =	vperm.xlane v15, v1;
	v33 =	vsel vm1, v18, v33  }
0x123: {  	v15 =	vperm.xlane v36, v2;
	v11 =	vsel vm1, v5, v27;
	v51 =	vperm.xlane v20, v1  }
0x124: {  	v26 =	vperm.xlane v17, v1;
	v27 =	vperm.xlane v27, v1;
	v20 =	vsel vm1, v60, v20  }
0x125: {  	v60 =	vperm.xlane v6, v2;
	v5 =	vsel vm2, v28, v11;
	v55 =	vperm.xlane v21, v0  }
0x126: {  	v21 =	vsel vm0, v53, v21;
	v35 =	vsel vm1, v35, v48;
	v43 =	vsel vm1, v58, v16  }
0x127: {  	v48 =	vsel vm1, v17, v59;
	v17 =	vperm.xlane v29, v2;
	v58 =	vperm.xlane v11, v2  }
0x128: {  	v28 =	vsel vm3, v54, v5;
	v54 =	vperm.xlane v24, v1;
	v24 =	vsel vm1, v24, v52  }
0x129: {  	v53 =	vperm.xlane v21, v1;
	v39 =	vsel vm1, v39, v51;
	v49 =	vsel vm1, v26, v19  }
0x12a: {  	v19 =	vperm.xlane v32, v2;
	v44 =	vsel vm0, v62, v55;
	v62 =	vperm.xlane v40, v1  }
0x12b: {  	v34 =	vsel vm1, v34, v27;
	v26 =	vperm.xlane v39, v2;
	v55 =	vperm.xlane v47, v2  }
0x12c: {  	v56 =	vperm.xlane v34, v2;
	v57 =	vperm.xlane v49, v2;
	v10 =	vsel vm2, v10, v58  }
0x12d: {  	v31 =	vsel vm1, v54, v31;
	v52 =	vperm.xlane v44, v1;
	v54 =	vperm.xlane v8, v1  }
0x12e: {  	v42 =	vsel vm1, v61, v44;
	v44 =	vsel vm1, v8, v63;
	v8 =	vperm.xlane v35, v2  }
0x12f: {  	v40 =	vsel vm1, v40, v53;
	v61 =	vperm.xlane v48, v2;
	v63 =	vperm.xlane v43, v2  }
0x130: {  	v21 =	vsel vm1, v62, v21;
	v18 =	vperm.xlane v31, v2;
	v30 =	vperm.xlane v42, v2  }
0x131: {  	v62 =	vperm.xlane v33, v2;
	v41 =	vsel vm1, v41, v52;
	v46 =	vsel vm1, v54, v12  }
0x132: {  	v12 =	vperm.xlane v24, v2;
	v50 =	vsel vm2, v24, v8;
	v8 =	vperm.xlane v37, v2  }
0x133: {  	v26 =	vsel vm2, v26, v40;
	v52 =	vperm.xlane v7, v2;
	v24 =	vperm.xlane v41, v2  }
0x134: {  	v27 =	vsel vm2, v25, v41;
	v59 =	vperm.xlane v50, v3;
	v16 =	vsel vm2, v12, v35  }
0x135: {  	v12 =	vperm.xlane v38, v2;
	v35 =	vsel vm2, v29, v15;
	v15 =	vsel vm2, v17, v36  }
0x136: {  	v17 =	vperm.xlane v40, v2;
	v51 =	vsel vm2, v31, v8;
	v36 =	vperm.xlane v45, v2  }
0x137: {  	v8 =	vsel vm2, v18, v37;
	v18 =	vperm.xlane v21, v2;
	v37 =	vperm.xlane v20, v2  }
0x138: {  	v31 =	vsel vm2, v45, v30;
	v11 =	vsel vm2, v52, v44;
	v53 =	vsel vm2, v22, v24  }
0x139: {  	v22 =	vperm.xlane v46, v2;
	v29 =	vsel vm2, v32, v12;
	v32 =	vperm.xlane v44, v2  }
0x13a: {  	v12 =	vsel vm2, v19, v38;
	v19 =	vperm.xlane v14, v2;
	v38 =	vperm.xlane v23, v2  }
0x13b: {  	v39 =	vsel vm2, v39, v17;
	v25 =	vsel vm2, v36, v42;
	v30 =	vsel vm2, v20, v18  }
0x13c: {  	v24 =	vsel vm2, v37, v21;
	v17 =	vsel vm2, v9, v13;
	v21 =	vsel vm2, v47, v61  }
0x13d: {  	v13 =	vsel vm2, v62, v34;
	v61 =	vperm.xlane v35, v3;
	v62 =	vperm.xlane v31, v3  }
0x13e: {  	s29 =	simm.s32 $0x0;
	s21 =	sshll.u32 s21, $0x9;
	s19 =	sshll.u32 s17, $0x3;
	v34 =	vperm.xlane v16, v3;
	v18 =	vsel vm2, v6, v22;
	v6 =	vsel vm2, v60, v46  }
0x13f: {  	s30 =	sand.u32 $0xFFFFFFF0, s29;
	s20 =	sshll.u32 s26, $0x9;
	s31 =	sadd.s32 s19, s21;
	v22 =	vsel vm2, v43, v57;
	v57 =	vperm.xlane v53, v3;
	v60 =	vperm.xlane v39, v3  }
0x140: {  	s20 =	sadd.s32 s19, s20;
	s17 =	sadd.s32 s30, s31;
	v9 =	vsel vm2, v63, v49;
	v37 =	vperm.xlane v30, v3;
	v36 =	vperm.xlane v29, v3  }
0x141: {  	s21 =	sadd.s32 s30, s20;
	[tilespmem:s17+$0x9580] =	vst v28;
	v19 =	vsel vm2, v23, v19;
	v23 =	vsel vm2, v33, v56;
	v33 =	vsel vm3, v59, v53  }
0x142: {  	v20 =	vsel vm2, v7, v32;
	v7 =	vsel vm2, v38, v14;
	v63 =	vsel vm3, v61, v39;
	[tilespmem:s21+$0x9200] =	vst v33  }
0x143: {  	v14 =	vsel vm2, v55, v48;
	v38 =	vperm.xlane v51, v3;
	v28 =	vsel vm3, v50, v57;
	[tilespmem:s21+$0x9280] =	vst v63  }
0x144: {  	v32 =	vperm.xlane v15, v3;
	v33 =	vperm.xlane v26, v3;
	[tilespmem:s21+$0x8200] =	vst v28;
	v28 =	vsel vm3, v35, v60  }
0x145: {  	s20 =	simm.s32 $0x0;
	v39 =	vsel vm3, v51, v62;
	v35 =	vperm.xlane v27, v3;
	[tilespmem:s21+$0x8280] =	vst v28;
	v28 =	vperm.xlane v25, v3  }
.LBB2_6:
0x146: {  	s20 =	sadd.s32 $0x2, s20;
	v31 =	vsel vm3, v38, v31;
	v38 =	vperm.xlane v8, v3;
	v40 =	vperm.xlane v24, v3;
	[tilespmem:s21+$0x8300] =	vst v39  }
0x147: {  	v29 =	vsel vm3, v29, v37;
	v37 =	vperm.xlane v12, v3;
	s18 =	sadd.s32 $0x20, s18;
	s22 =	sshll.u32 s20, $0x8;
	p1 =	slt.u32 s20, $0x3E;
	[tilespmem:s21+$0x9300] =	vst v31;
	v31 =	vperm.xlane v21, v3  }
0x148: {  	v30 =	vsel vm3, v36, v30;
	v36 =	vperm.xlane v23, v3;
	s23 =	sand.u32 $0x60, s18;
	s22 =	sand.u32 $0x3FFFF800, s22;
	[tilespmem:s21+$0x8380] =	vst v29;
	v29 =	vperm.xlane v20, v3  }
0x149: {  	v16 =	vsel vm3, v16, v35;
	v35 =	vperm.xlane v22, v3;
	s26 =	sshll.u32 s23, $0x9;
	s24 =	sor.u32 $0x10, s23;
	s25 =	sadd.s32 $0x4200, s22;
	[tilespmem:s21+$0x9380] =	vst v30;
	v30 =	vperm.xlane v19, v3  }
0x14a: {  	v27 =	vsel vm3, v34, v27;
	v34 =	vperm.xlane v10, v3;
	s22 =	sor.u32 s23, s25;
	s23 =	sadd.s32 s19, s26;
	s25 =	sor.u32 s24, s25;
	[tilespmem:s21+$0x8400] =	vst v16;
	v16 =	vperm.xlane v18, v3  }
0x14b: {  	v15 =	vsel vm3, v15, v33;
	v33 =	vperm.xlane v14, v3;
	v39 =	vld [tilespmem:s25+$0x0];
	[tilespmem:s21+$0x9400] =	vst v27;
	v27 =	vperm.xlane v17, v3  }
0x14c: {  	v26 =	vsel vm3, v32, v26;
	v32 =	vperm.xlane v13, v3;
	v41 =	vld [tilespmem:s25+$0x80];
	[tilespmem:s21+$0x8480] =	vst v15;
	v15 =	vperm.xlane v11, v3  }
0x14d: {  	v8 =	vsel vm3, v8, v28;
	v28 =	vperm.xlane v9, v3;
	v42 =	vld [tilespmem:s25+$0x100];
	[tilespmem:s21+$0x9480] =	vst v26;
	v26 =	vperm.xlane v7, v3  }
0x14e: {  	v25 =	vsel vm3, v38, v25;
	v38 =	vperm.xlane v6, v3;
	v43 =	vld [tilespmem:s25+$0x180];
	[tilespmem:s21+$0x8500] =	vst v8;
	v8 =	vperm.xlane v5, v3  }
0x14f: {  	v12 =	vsel vm3, v12, v40;
	v24 =	vsel vm3, v37, v24;
	v20 =	vsel vm3, v20, v31;
	v5 =	vld [tilespmem:s25+$0x200];
	[tilespmem:s21+$0x9500] =	vst v25  }
0x150: {  	v21 =	vsel vm3, v29, v21;
	v31 =	vld [tilespmem:s25+$0x280];
	[tilespmem:s21+$0x8580] =	vst v12;
	v12 =	vsel vm3, v19, v36;
	v19 =	vsel vm3, v30, v23  }
0x151: {  	v18 =	vsel vm3, v18, v35;
	v16 =	vsel vm3, v16, v22;
	v29 =	vld [tilespmem:s25+$0x300];
	v23 =	vperm.xlane v41, v0;
	[tilespmem:s21+$0x9580] =	vst v24  }
0x152: {  	v17 =	vsel vm3, v17, v34;
	v11 =	vsel vm3, v11, v33;
	v10 =	vsel vm3, v27, v10;
	v24 =	vld [tilespmem:s25+$0x380];
	[tilespmem:s17+$0x8200] =	vst v20  }
0x153: {  	v30 =	vsel vm3, v15, v14;
	v22 =	vld [tilespmem:s25+$0x400];
	v20 =	vsel vm0, v39, v23;
	v27 =	vperm.xlane v43, v0;
	[tilespmem:s17+$0x8280] =	vst v12  }
0x154: {  	v7 =	vsel vm3, v7, v32;
	v13 =	vsel vm3, v26, v13;
	v23 =	vld [tilespmem:s25+$0x500];
	v12 =	vperm.xlane v20, v1;
	[tilespmem:s17+$0x8300] =	vst v18  }
0x155: {  	v18 =	vsel vm3, v6, v28;
	v25 =	vld [tilespmem:s25+$0x600];
	v14 =	vsel vm0, v42, v27;
	v15 =	vperm.xlane v31, v0;
	[tilespmem:s17+$0x8380] =	vst v17  }
0x156: {  	v27 =	vsel vm3, v38, v9;
	v26 =	vld [tilespmem:s25+$0x700];
	v17 =	vperm.xlane v14, v1;
	v6 =	vsel vm1, v12, v14;
	[tilespmem:s17+$0x8400] =	vst v11  }
0x157: {  	v9 =	vperm.xlane v39, v0;
	v28 =	vld [tilespmem:s25+$0x480];
	v12 =	vsel vm0, v5, v15;
	v11 =	vperm.xlane v24, v0;
	[tilespmem:s17+$0x8480] =	vst v7  }
0x158: {  	v33 =	vperm.xlane v42, v0;
	v5 =	vperm.xlane v5, v0;
	v32 =	vld [tilespmem:s25+$0x580];
	v7 =	vsel vm1, v20, v17;
	[tilespmem:s17+$0x8500] =	vst v18  }
0x159: {  	v18 =	vperm.xlane v22, v0;
	v34 =	vld [tilespmem:s25+$0x680];
	v14 =	vsel vm0, v29, v11;
	v11 =	vperm.xlane v29, v0;
	[tilespmem:s17+$0x9200] =	vst v21  }
0x15a: {  	v15 =	vsel vm0, v9, v41;
	v35 =	vperm.xlane v23, v0;
	v29 =	vld [tilespmem:s22+$0x0];
	v36 =	vperm.xlane v25, v0;
	[tilespmem:s17+$0x9280] =	vst v19  }
0x15b: {  	v20 =	vsel vm0, v33, v43;
	v9 =	vperm.xlane v15, v1;
	v37 =	vld [tilespmem:s25+$0x780];
	v19 =	vperm.xlane v26, v0;
	[tilespmem:s17+$0x9300] =	vst v16  }
0x15c: {  	v17 =	vsel vm0, v5, v31;
	v21 =	vsel vm0, v11, v24;
	v33 =	vld [tilespmem:s22+$0x80];
	v16 =	vsel vm0, v18, v28;
	[tilespmem:s17+$0x9380] =	vst v10  }
0x15d: {  	v9 =	vsel vm1, v9, v20;
	v5 =	vperm.xlane v17, v1;
	v31 =	vld [tilespmem:s22+$0x100];
	v10 =	vperm.xlane v16, v1;
	[tilespmem:s17+$0x9400] =	vst v30  }
0x15e: {  	v24 =	vsel vm0, v35, v32;
	v35 =	vperm.xlane v9, v2;
	v30 =	vld [tilespmem:s22+$0x180];
	v18 =	vsel vm0, v36, v34;
	[tilespmem:s17+$0x9480] =	vst v13  }
0x15f: {  	v11 =	vsel vm1, v5, v21;
	v36 =	vld [tilespmem:s22+$0x200];
	v10 =	vsel vm1, v10, v24;
	v5 =	vperm.xlane v18, v1;
	[tilespmem:s17+$0x9500] =	vst v27  }
0x160: {  	v27 =	vld [tilespmem:s22+$0x280];
	v38 =	vsel vm0, v19, v37;
	v19 =	vsel vm2, v35, v11;
	v35 =	vperm.xlane v10, v2  }
0x161: {  	s24 =	sshll.u32 s24, $0x9;
	s21 =	sshll.u32 s20, $0x1;
	v39 =	vld [tilespmem:s22+$0x300];
	v40 =	vperm.xlane v33, v0;
	v13 =	vsel vm1, v5, v38;
	v41 =	vperm.xlane v19, v3  }
0x162: {  	s24 =	sadd.s32 s19, s24;
	s25 =	sand.u32 $0xFFFFFFF0, s21;
	v43 =	vperm.xlane v29, v0;
	v42 =	vld [tilespmem:s22+$0x380];
	v44 =	vperm.xlane v31, v0;
	v5 =	vsel vm2, v35, v13  }
0x163: {  	s21 =	sadd.s32 s25, s23;
	v28 =	vperm.xlane v28, v0;
	s23 =	sadd.s32 s25, s24;
	v35 =	vld [tilespmem:s22+$0x400];
	v45 =	vperm.xlane v30, v0;
	v41 =	vsel vm3, v41, v5  }
0x164: {  	v32 =	vperm.xlane v32, v0;
	v29 =	vsel vm0, v29, v40;
	v46 =	vld [tilespmem:s22+$0x480];
	v40 =	vperm.xlane v36, v0;
	[tilespmem:s23+$0x9580] =	vst v41  }
0x165: {  	v34 =	vperm.xlane v34, v0;
	v33 =	vsel vm0, v43, v33;
	v41 =	vld [tilespmem:s22+$0x500];
	v43 =	vperm.xlane v27, v0  }
0x166: {  	v37 =	vperm.xlane v37, v0;
	v31 =	vsel vm0, v31, v45;
	v47 =	vld [tilespmem:s22+$0x580];
	v45 =	vperm.xlane v39, v0  }
0x167: {  	v30 =	vsel vm0, v44, v30;
	v48 =	vld [tilespmem:s22+$0x600];
	v36 =	vsel vm0, v36, v43;
	v43 =	vperm.xlane v42, v0  }
0x168: {  	v27 =	vsel vm0, v40, v27;
	v44 =	vld [tilespmem:s22+$0x680];
	v40 =	vsel vm0, v45, v42;
	v42 =	vperm.xlane v35, v0  }
0x169: {  	v22 =	vsel vm0, v22, v28;
	v45 =	vld [tilespmem:s22+$0x700];
	v39 =	vsel vm0, v39, v43;
	v43 =	vperm.xlane v46, v0  }
0x16a: {  	v23 =	vsel vm0, v23, v32;
	v28 =	vld [tilespmem:s22+$0x780];
	v42 =	vsel vm0, v42, v46;
	v46 =	vperm.xlane v41, v0  }
0x16b: {  	v25 =	vsel vm0, v25, v34;
	v32 =	vsel vm0, v35, v43;
	v35 =	vperm.xlane v47, v0  }
0x16c: {  	v26 =	vsel vm0, v26, v37;
	v34 =	vsel vm0, v46, v47;
	v43 =	vperm.xlane v48, v0  }
0x16d: {  	v35 =	vsel vm0, v41, v35;
	v37 =	vperm.xlane v44, v0;
	v41 =	vperm.xlane v31, v1  }
0x16e: {  	v46 =	vperm.xlane v29, v1;
	v43 =	vsel vm0, v43, v44;
	v44 =	vperm.xlane v45, v0  }
0x16f: {  	v37 =	vsel vm0, v48, v37;
	v47 =	vperm.xlane v28, v0;
	v48 =	vperm.xlane v30, v1  }
0x170: {  	v49 =	vperm.xlane v39, v1;
	v28 =	vsel vm0, v44, v28;
	v44 =	vperm.xlane v33, v1  }
0x171: {  	v50 =	vperm.xlane v40, v1;
	v45 =	vsel vm0, v45, v47;
	v47 =	vperm.xlane v36, v1  }
0x172: {  	v51 =	vperm.xlane v35, v1;
	v29 =	vsel vm1, v29, v41;
	v41 =	vperm.xlane v27, v1  }
0x173: {  	v52 =	vperm.xlane v34, v1;
	v31 =	vsel vm1, v46, v31;
	v46 =	vperm.xlane v32, v1  }
0x174: {  	v33 =	vsel vm1, v33, v48;
	v48 =	vperm.xlane v42, v1;
	v53 =	vperm.xlane v45, v1  }
0x175: {  	v54 =	vperm.xlane v28, v1;
	v30 =	vsel vm1, v44, v30;
	v44 =	vperm.xlane v37, v1  }
0x176: {  	v20 =	vperm.xlane v20, v1;
	v36 =	vsel vm1, v36, v49;
	v49 =	vperm.xlane v43, v1  }
0x177: {  	v55 =	vperm.xlane v12, v1;
	v39 =	vsel vm1, v47, v39;
	v47 =	vperm.xlane v14, v1  }
0x178: {  	v21 =	vperm.xlane v21, v1;
	v27 =	vsel vm1, v27, v50;
	v50 =	vperm.xlane v23, v1  }
0x179: {  	v24 =	vperm.xlane v24, v1;
	v40 =	vsel vm1, v41, v40;
	v41 =	vperm.xlane v22, v1  }
0x17a: {  	v56 =	vperm.xlane v25, v1;
	v32 =	vsel vm1, v32, v51;
	v51 =	vperm.xlane v26, v1  }
0x17b: {  	v38 =	vperm.xlane v38, v1;
	v35 =	vsel vm1, v46, v35;
	v42 =	vsel vm1, v42, v52  }
0x17c: {  	v34 =	vsel vm1, v48, v34;
	v37 =	vsel vm1, v37, v53;
	v44 =	vsel vm1, v44, v45  }
0x17d: {  	v43 =	vsel vm1, v43, v54;
	v28 =	vsel vm1, v49, v28;
	v45 =	vsel vm1, v15, v20  }
0x17e: {  	v17 =	vsel vm1, v17, v21;
	v14 =	vsel vm1, v55, v14;
	v46 =	vsel vm1, v12, v47  }
0x17f: {  	v21 =	vsel vm1, v22, v50;
	v22 =	vsel vm1, v41, v23;
	v23 =	vsel vm1, v16, v24  }
0x180: {  	v38 =	vsel vm1, v18, v38;
	v41 =	vsel vm1, v25, v51;
	v47 =	vsel vm1, v56, v26  }
0x181: {  	v8 =	vsel vm3, v4, v8;
	v4 =	vmovc v19;
	v15 =	vperm.xlane v29, v2;
	v12 =	vperm.xlane v36, v2  }
0x182: {  	v18 =	vperm.xlane v27, v2;
	v19 =	vperm.xlane v33, v2;
	[tilespmem:s17+$0x8580] =	vst v8;
	s17 =	smov.u32 s23  }
0x183: {  	v48 =	vsel vm2, v29, v12;
	v12 =	vperm.xlane v31, v2;
	v8 =	vperm.xlane v39, v2  }
0x184: {  	v24 =	vperm.xlane v30, v2;
	v20 =	vperm.xlane v40, v2;
	v16 =	vsel vm2, v15, v36  }
0x185: {  	v33 =	vsel vm2, v33, v18;
	v25 =	vperm.xlane v32, v2;
	v18 =	vperm.xlane v37, v2  }
0x186: {  	v26 =	vperm.xlane v42, v2;
	v15 =	vsel vm2, v19, v27;
	v19 =	vperm.xlane v43, v2  }
0x187: {  	v36 =	vperm.xlane v35, v2;
	v49 =	vsel vm2, v31, v8;
	v31 =	vperm.xlane v44, v2  }
0x188: {  	v50 =	vperm.xlane v34, v2;
	v8 =	vsel vm2, v12, v39;
	v39 =	vperm.xlane v28, v2  }
0x189: {  	v51 =	vperm.xlane v7, v2;
	v29 =	vsel vm2, v30, v20;
	v20 =	vperm.xlane v46, v2  }
0x18a: {  	v52 =	vperm.xlane v45, v2;
	v12 =	vsel vm2, v24, v40;
	v40 =	vperm.xlane v17, v2  }
0x18b: {  	v53 =	vperm.xlane v6, v2;
	v32 =	vsel vm2, v32, v18;
	v18 =	vperm.xlane v14, v2  }
0x18c: {  	v54 =	vperm.xlane v41, v2;
	v27 =	vsel vm2, v25, v37;
	v37 =	vperm.xlane v11, v2  }
0x18d: {  	v55 =	vperm.xlane v21, v2;
	v56 =	vperm.xlane v38, v2;
	v42 =	vsel vm2, v42, v19  }
0x18e: {  	v57 =	vperm.xlane v47, v2;
	v26 =	vsel vm2, v26, v43;
	v43 =	vperm.xlane v23, v2  }
0x18f: {  	v58 =	vperm.xlane v13, v2;
	v31 =	vsel vm2, v35, v31;
	v35 =	vperm.xlane v22, v2  }
0x190: {  	v25 =	vsel vm2, v36, v44;
	v24 =	vsel vm2, v50, v28;
	v30 =	vsel vm2, v34, v39  }
0x191: {  	v11 =	vsel vm2, v51, v46;
	v20 =	vsel vm2, v7, v20;
	v19 =	vsel vm2, v45, v40  }
0x192: {  	v7 =	vsel vm2, v52, v17;
	v18 =	vsel vm2, v6, v18;
	v6 =	vsel vm2, v53, v14  }
0x193: {  	v21 =	vsel vm2, v21, v54;
	v14 =	vsel vm2, v55, v41;
	v17 =	vsel vm2, v9, v37  }
0x194: {  	v23 =	vsel vm2, v23, v56;
	v13 =	vsel vm2, v43, v38;
	v22 =	vsel vm2, v22, v57  }
0x195: {  	v10 =	vsel vm2, v10, v58;
	v28 =	vperm.xlane v32, v3;
	v9 =	vsel vm2, v35, v47  }
0x196: {  	v34 =	vperm.xlane v48, v3;
	v35 =	vperm.xlane v42, v3  }
.Ltmp1:
0x197: {  	v28 =	vsel vm3, v48, v28;
	v39 =	vperm.xlane v33, v3;
	v40 =	vperm.xlane v31, v3;
	(pc) =	sbr.rel @p1 .LBB2_6-.Ltmp1, $4  }
0x198: {  	v38 =	vperm.xlane v49, v3;
	v37 =	vperm.xlane v30, v3;
	v32 =	vsel vm3, v34, v32;
	[tilespmem:s21+$0x8200] =	vst v28  }
0x199: {  	v36 =	vperm.xlane v29, v3;
	v28 =	vsel vm3, v33, v35;
	v35 =	vperm.xlane v27, v3;
	[tilespmem:s21+$0x9200] =	vst v32  }
0x19a: {  	v41 =	vsel vm3, v39, v42;
	v34 =	vperm.xlane v16, v3;
	v33 =	vperm.xlane v26, v3;
	[tilespmem:s21+$0x8280] =	vst v28  }
0x19b: {  	v39 =	vsel vm3, v49, v40;
	v32 =	vperm.xlane v15, v3;
	v28 =	vperm.xlane v25, v3;
	[tilespmem:s21+$0x9280] =	vst v41  }
0x19c: {  	v31 =	vsel vm3, v38, v31;
	[tilespmem:s21+$0x8300] =	vst v39  }
0x19d: {  	v29 =	vsel vm3, v29, v37;
	[tilespmem:s21+$0x9300] =	vst v31  }
0x19e: {  	v30 =	vsel vm3, v36, v30;
	[tilespmem:s21+$0x8380] =	vst v29  }
0x19f: {  	v16 =	vsel vm3, v16, v35;
	[tilespmem:s21+$0x9380] =	vst v30  }
0x1a0: {  	v27 =	vsel vm3, v34, v27;
	[tilespmem:s21+$0x8400] =	vst v16  }
0x1a1: {  	v15 =	vsel vm3, v15, v33;
	[tilespmem:s21+$0x9400] =	vst v27  }
0x1a2: {  	v42 =	vperm.xlane v8, v3;
	v26 =	vsel vm3, v32, v26;
	[tilespmem:s21+$0x8480] =	vst v15  }
0x1a3: {  	v43 =	vperm.xlane v24, v3;
	v44 =	vsel vm3, v8, v28;
	[tilespmem:s21+$0x9480] =	vst v26  }
0x1a4: {  	v45 =	vperm.xlane v12, v3;
	v16 =	vsel vm3, v42, v25;
	[tilespmem:s21+$0x8500] =	vst v44  }
0x1a5: {  	v46 =	vperm.xlane v21, v3;
	v47 =	vsel vm3, v12, v43;
	[tilespmem:s21+$0x9500] =	vst v16  }
0x1a6: {  	v48 =	vperm.xlane v23, v3;
	v49 =	vsel vm3, v45, v24;
	[tilespmem:s21+$0x8580] =	vst v47  }
0x1a7: {  	v50 =	vperm.xlane v22, v3;
	v8 =	vsel vm3, v20, v46;
	[tilespmem:s21+$0x9580] =	vst v49  }
0x1a8: {  	v58 =	vperm.xlane v17, v3;
	v15 =	vsel vm3, v19, v48;
	[tilespmem:s17+$0x8200] =	vst v8  }
0x1a9: {  	v59 =	vperm.xlane v11, v3;
	v12 =	vsel vm3, v18, v50;
	[tilespmem:s17+$0x8280] =	vst v15  }
0x1aa: {  	v5 =	vperm.xlane v5, v3;
	v61 =	vsel vm3, v58, v10;
	[tilespmem:s17+$0x8300] =	vst v12  }
0x1ab: {  	v51 =	vperm.xlane v10, v3;
	v63 =	vsel vm3, v59, v14;
	[tilespmem:s17+$0x9380] =	vst v61  }
0x1ac: {  	v52 =	vperm.xlane v14, v3;
	v4 =	vsel vm3, v4, v5;
	[tilespmem:s17+$0x9400] =	vst v63  }
0x1ad: {  	v53 =	vperm.xlane v13, v3;
	v16 =	vsel vm3, v17, v51;
	[tilespmem:s17+$0x8580] =	vst v4  }
0x1ae: {  	v54 =	vperm.xlane v9, v3;
	v8 =	vsel vm3, v11, v52;
	[tilespmem:s17+$0x8380] =	vst v16  }
0x1af: {  	v60 =	vperm.xlane v7, v3;
	v15 =	vsel vm3, v7, v53;
	[tilespmem:s17+$0x8400] =	vst v8  }
0x1b0: {  	v62 =	vperm.xlane v6, v3;
	v12 =	vsel vm3, v6, v54;
	[tilespmem:s17+$0x8480] =	vst v15  }
0x1b1: {  	v55 =	vperm.xlane v20, v3;
	v7 =	vsel vm3, v60, v13;
	[tilespmem:s17+$0x8500] =	vst v12  }
0x1b2: {  	v56 =	vperm.xlane v19, v3;
	v6 =	vsel vm3, v62, v9;
	[tilespmem:s17+$0x9480] =	vst v7  }
0x1b3: {  	v57 =	vperm.xlane v18, v3;
	v16 =	vsel vm3, v55, v21;
	[tilespmem:s17+$0x9500] =	vst v6  }
0x1b4: {  	v8 =	vsel vm3, v56, v23;
	[tilespmem:s17+$0x9200] =	vst v16  }
0x1b5: {  	v15 =	vsel vm3, v57, v22;
	[tilespmem:s17+$0x9280] =	vst v8  }
0x1b6: {  	[tilespmem:s17+$0x9300] =	vst v15  }
.Ltmp2:
0x1b7: {  	(pc) =	sbr.rel @p0 .LBB2_3-.Ltmp2, $2  }
0x1b8: {  	_ =	sdelay $0x2  }
0x1b9: {  	s19 =	simm.s32 $0x1;
	p1 =	por $0x0, $0x0  }
0x1ba: {  	s16 =	sadd.s32 $0x1, s16  }
0x1bb: {  	p0 =	sne.s32 s16, s6  }
.Ltmp3:
0x1bc: {  	_ = 	snop;
	(pc) =	sbr.rel @p0 .LBB2_1-.Ltmp3, $4  }
0x1bd: {  	[hbm4b:s5+s13] =	stream.strided.scatter [tilespmem:s15], [sflag:$0x3], $0x10000, s14, s13, $0x38;
	[tilespmem:$0x18200] =	vst v63  }
0x1be: {  	_ =	swait.ge [sflag:s7], $0x10000  }
0x1bf: {  	[sflag:s7] =	ssyncset.done $0x0  }
0x1c0: {  	[sflag:s7] =	ssyncadd.s32 $0xFFFF0000  }
0x1c1: {  	_ =	sfence.sel $0x180000  }
0x1c2: {  	[bflag:$0x0] =	sbarrier.arrive $0xFFFF  }
0x1c3: {  	p0 =	sne.s32 s1, $0x0;
	_ =	strace $0x90000047  }
0x1c4: {  	s0 =	sadd.s32 @!p0 $0x100000, s2;
	[bflag:$0x2] =	sbarrier.arrive $0xFFFF  }
0x1c5: {  	[sflag:s0] =	ssyncadd.tile.s32 @!p0 $0x1;
	_ =	shalt  }
.Lfunc_end2:
_tile_overlayer_lowered:
.L_overlay_start_2:
0x1c6: {  	(tag) =	ssettag $0x2  }
0x1c7: {  	s0 =	rddreg [dreg:$0x0];
	s2 =	stileid.u32  }
0x1c8: {  	s1 =	rddreg [dreg:$0x1];
	p0 =	sne.s32 s2, $0x0  }
0x1c9: {  	s3 =	rddreg [dreg:$0x2];
	[bflag:$0x3] =	sbarrier.arrive $0xFFFF;
	s2 =	simm.s32 @!p0 $0x1C03  }
0x1ca: {  	[timem:s3], [sflag:s2] =	dma.local @!p0 [hbm:s0], s1  }
0x1cb: {  	s0 =	simm.s32 @!p0 $0x3  }
0x1cc: {  	_ =	swait.ge @!p0 [sflag:s0], s1  }
0x1cd: {  	s1 =	ssub.s32 @!p0 $0x0, s1;
	[sflag:s0] =	ssyncset.done @!p0 $0x0  }
0x1ce: {  	[sflag:s0] =	ssyncadd.s32 @!p0 s1  }
0x1cf: {  	[bflag:$0x3] =	sbarrier.arrive $0xFFFF  }
0x1d0: {  	_ =	shalt  }

</sc_bundles>
